<compile_context>
chip_gen: v7x
topology: tpu7x:2x2x1
jax: 0.10.2.dev20260603
libtpu: 0.0.44.dev20260713+nightly
codegen_flags: <defaults>
</compile_context>

<pallas_src>
import math

import jax
import jax.numpy as jnp
from jax import lax
from jax.experimental import pallas as pl
from jax.experimental.pallas import tpu as pltpu
from jax.experimental.pallas import tpu_sc as plsc

B, C, H, W_ = 32, 96, 32, 32
N = H * W_
K = 16
INF = 1e10
BN_SCALE = 1.0 / math.sqrt(1.0 + 1e-5)
INV_SQRT2 = 1.0 / math.sqrt(2.0)

SC_G = 16
NW = 32
CH = 16


def _pair_dist(xcb):
    sq = jnp.sum(xcb * xcb, axis=0, keepdims=True)
    g = lax.dot_general(xcb, xcb, (((0,), (0,)), ((), ())),
                        preferred_element_type=jnp.float32)
    d2 = jnp.transpose(sq) + sq - 2.0 * g
    rows = lax.broadcasted_iota(jnp.int32, (N, N), 0)
    cols = lax.broadcasted_iota(jnp.int32, (N, N), 1)
    return jnp.where(rows != cols, d2, INF)


def _epilogue(xcb, mask, wg_ref, bg_ref, gamma_ref, beta_ref):
    ht = lax.dot_general(wg_ref[...], xcb, (((0,), (0,)), ((), ())),
                         preferred_element_type=jnp.float32)
    agg = lax.dot_general(ht, mask, (((1,), (0,)), ((), ())),
                          preferred_element_type=jnp.float32) + ht
    y = agg * (1.0 / (K + 1)) + bg_ref[...]
    y = y * (gamma_ref[...] * BN_SCALE) + beta_ref[...]
    y = y * 0.5 * (1.0 + lax.erf(y * INV_SQRT2))
    return y + xcb


def _fused_kernel(x_ref, wg_ref, bg_ref, gamma_ref, beta_ref, out_ref):
    xcb = x_ref[0]
    m = _pair_dist(xcb)
    cur = jnp.min(m, axis=1, keepdims=True)
    for _ in range(K - 1):
        cur = jnp.min(jnp.where(m > cur, m, INF), axis=1, keepdims=True)
    mask = jnp.where(m <= jnp.transpose(cur), 1.0, 0.0)
    out_ref[0] = _epilogue(xcb, mask, wg_ref, bg_ref, gamma_ref, beta_ref)


def _dist_kernel(x_ref, d2_ref):
    d2_ref[0] = _pair_dist(x_ref[0])


def _sc_sort(v, descending=False):
    return plsc.sort_key_val(v, v, descending=descending)[0]


def _sc_topk_body(d2_hbm, t_hbm, buf0_v, buf1_v, out_v, sem0, sem1):
    rows_per_w = (SC_G * N) // NW
    nchunk = rows_per_w // CH
    wid = lax.axis_index("s") * 2 + lax.axis_index("c")
    base = wid * rows_per_w

    def copy(ci, buf, sem):
        return pltpu.make_async_copy(
            d2_hbm.at[pl.ds(base + ci * CH, CH)], buf, sem)

    def process(ci, buf):
        accs = tuple(
            _sc_sort(buf[r, pl.ds(0, 16)]) for r in range(CH))

        def leaf_body(j, accs):
            new = []
            for r in range(CH):
                leaf = _sc_sort(buf[r, pl.ds(j * 16, 16)], descending=True)
                low = jnp.minimum(accs[r], leaf)
                new.append(_sc_sort(low))
            return tuple(new)

        accs = lax.fori_loop(1, N // 16, leaf_body, accs)
        lanes = lax.broadcasted_iota(jnp.int32, (16,), 0)
        tvec = jnp.zeros((16,), jnp.float32)
        for r in range(CH):
            tr = jnp.max(accs[r])
            tvec = jnp.where(lanes == r, jnp.full((16,), tr), tvec)
        out_v[pl.ds(ci * CH, CH)] = tvec

    copy(0, buf0_v, sem0).start()

    def pair_body(g, _):
        ci0 = g * 2
        copy(ci0, buf0_v, sem0).wait()

        @pl.when(ci0 + 1 < nchunk)
        def _():
            copy(ci0 + 1, buf1_v, sem1).start()

        process(ci0, buf0_v)
        copy(ci0 + 1, buf1_v, sem1).wait()

        @pl.when(ci0 + 2 < nchunk)
        def _():
            copy(ci0 + 2, buf0_v, sem0).start()

        process(ci0 + 1, buf1_v)
        return 0

    lax.fori_loop(0, nchunk // 2, pair_body, 0)
    pltpu.sync_copy(out_v, t_hbm.at[pl.ds(base, rows_per_w)])


def _final_kernel(buf_ref, x_ref, t_ref, wg_ref, bg_ref, gamma_ref, beta_ref,
                  out_ref):
    del buf_ref
    xcb = x_ref[0]
    m = _pair_dist(xcb)
    mask = jnp.where(m <= t_ref[0], 1.0, 0.0)
    out_ref[0] = _epilogue(xcb, mask, wg_ref, bg_ref, gamma_ref, beta_ref)


@jax.jit
def kernel(x, Wg, bg, gamma, beta):
    xr = x.reshape(B, C, N)
    bgc = bg.reshape(C, 1)
    gac = gamma.reshape(C, 1)
    bec = beta.reshape(C, 1)

    d2 = pl.pallas_call(
        _dist_kernel,
        grid=(SC_G,),
        in_specs=[pl.BlockSpec((1, C, N), lambda b: (b, 0, 0))],
        out_specs=pl.BlockSpec((1, N, N), lambda b: (b, 0, 0)),
        out_shape=jax.ShapeDtypeStruct((SC_G, N, N), jnp.float32),
    )(xr).reshape(SC_G * N, N)

    mesh = plsc.VectorSubcoreMesh(core_axis_name="c", subcore_axis_name="s")
    t = pl.kernel(
        _sc_topk_body,
        out_type=jax.ShapeDtypeStruct((SC_G * N,), jnp.float32),
        mesh=mesh,
        scratch_types=[
            pltpu.VMEM((CH, N), jnp.float32),
            pltpu.VMEM((CH, N), jnp.float32),
            pltpu.VMEM(((SC_G * N) // NW,), jnp.float32),
            pltpu.SemaphoreType.DMA,
            pltpu.SemaphoreType.DMA,
        ],
        compiler_params=pltpu.CompilerParams(needs_layout_passes=False),
    )(d2)

    buf = pl.pallas_call(
        _fused_kernel,
        grid=(B - SC_G,),
        in_specs=[
            pl.BlockSpec((1, C, N), lambda b: (b + SC_G, 0, 0)),
            pl.BlockSpec((C, C), lambda b: (0, 0)),
            pl.BlockSpec((C, 1), lambda b: (0, 0)),
            pl.BlockSpec((C, 1), lambda b: (0, 0)),
            pl.BlockSpec((C, 1), lambda b: (0, 0)),
        ],
        out_specs=pl.BlockSpec((1, C, N), lambda b: (b + SC_G, 0, 0)),
        out_shape=jax.ShapeDtypeStruct((B, C, N), jnp.float32),
    )(xr, Wg, bgc, gac, bec)

    out = pl.pallas_call(
        _final_kernel,
        grid=(SC_G,),
        in_specs=[
            pl.BlockSpec((1, C, N), lambda b: (b, 0, 0)),
            pl.BlockSpec((1, C, N), lambda b: (b, 0, 0)),
            pl.BlockSpec((1, 1, N), lambda b: (b, 0, 0)),
            pl.BlockSpec((C, C), lambda b: (0, 0)),
            pl.BlockSpec((C, 1), lambda b: (0, 0)),
            pl.BlockSpec((C, 1), lambda b: (0, 0)),
            pl.BlockSpec((C, 1), lambda b: (0, 0)),
        ],
        out_specs=pl.BlockSpec((1, C, N), lambda b: (b, 0, 0)),
        out_shape=jax.ShapeDtypeStruct((B, C, N), jnp.float32),
        input_output_aliases={0: 0},
    )(buf, xr, t.reshape(SC_G, 1, N), Wg, bgc, gac, bec)

    return out.reshape(B, C, H, W_)

# --- scband reference (transcript-rebuilt; emitter-appended) ---
"""Pipeline reference for scband-neo-vision-gnn-30021821399627 (READ-ONLY COPY).

The authoritative reference and input builder live on the scoring server;
editing this copy changes nothing except your own understanding.
"""

import jax, jax.numpy as jnp
import numpy as np

B, C, H, W_ = 32, 96, 32, 32
K = 16

def setup_inputs(seed: int = 0):
    key = jax.random.key(seed)
    k1, k2 = jax.random.split(key, 2)
    x = jax.random.normal(k1, (B, C, H, W_), dtype=jnp.float32)
    Wg = jax.random.normal(k2, (C, C), dtype=jnp.float32) * (1.0 / np.sqrt(C))
    bg = jnp.zeros((C,), dtype=jnp.float32)
    gamma = jnp.ones((C,), dtype=jnp.float32)
    beta = jnp.zeros((C,), dtype=jnp.float32)
    return {"x": x, "Wg": Wg, "bg": bg, "gamma": gamma, "beta": beta}

def _knn_edges(x_nodes):
    # x_nodes: [B*N, C], nodes grouped per graph of N=H*W nodes (PyG batch index)
    N = H * W_
    xb = x_nodes.reshape(B, N, C)
    sq = jnp.sum(xb * xb, axis=-1)
    d2 = sq[:, :, None] + sq[:, None, :] - 2.0 * jnp.einsum('bnc,bmc->bnm', xb, xb)
    d2 = d2 + jnp.eye(N, dtype=d2.dtype)[None, :, :] * 1e10  # loop=False: exclude self
    _, idx = jax.lax.top_k(-d2, K)  # [B, N, K] local neighbor indices
    offs = (jnp.arange(B, dtype=idx.dtype) * N)[:, None, None]
    src = (idx + offs).reshape(-1)                 # edge_index[0]: neighbor (source)
    dst = jnp.repeat(jnp.arange(B * N), K)         # edge_index[1]: center node (target)
    return src, dst

def reference(x, Wg, bg, gamma, beta):
    N = B * H * W_
    x_nodes = jnp.transpose(x, (0, 2, 3, 1)).reshape(N, C)
    src, dst = _knn_edges(x_nodes)
    # GCNConv: add self loops, symmetric normalization
    loop = jnp.arange(N)
    row = jnp.concatenate([src, loop])
    col = jnp.concatenate([dst, loop])
    ew = jnp.ones((row.shape[0],), dtype=x.dtype)
    deg = jnp.zeros((N,), dtype=x.dtype).at[col].add(ew)
    dinv = jnp.where(deg > 0, 1.0 / jnp.sqrt(deg), 0.0)
    norm = dinv[row] * ew * dinv[col]
    h = x_nodes @ Wg
    msg = norm[:, None] * h[row]
    out = jnp.zeros((N, C), dtype=x.dtype).at[col].add(msg)
    out = out + bg[None, :]
    out = out.reshape(B, H, W_, C).transpose(0, 3, 1, 2)
    # BatchNorm2d (eval mode: running_mean=0, running_var=1, eps=1e-5)
    out = gamma[None, :, None, None] * out / jnp.sqrt(1.0 + 1e-5) + beta[None, :, None, None]
    out = jax.nn.gelu(out, approximate=False)
    return out + x

if __name__ == "__main__":
    import jax
    _d = setup_inputs()
    print(jax.jit(kernel)(*tuple(_d.values())))

</pallas_src>

<mosaic_0001>
#map = affine_map<(d0, d1) -> (0, 0)>
#map1 = affine_map<(d0, d1) -> (0)>
module attributes {stable_mosaic.version = 14 : i64} {
  func.func @_sc_topk_body(%arg0: i32, %arg1: i32, %arg2: memref<16384x1024xf32, #tpu.memory_space<hbm>>, %arg3: memref<16384xf32, #tpu.memory_space<hbm>>, %arg4: memref<16x1024xf32, #tpu.memory_space<vmem>>, %arg5: memref<16x1024xf32, #tpu.memory_space<vmem>>, %arg6: memref<512xf32, #tpu.memory_space<vmem>>, %arg7: memref<!tpu.dma_semaphore, #tpu.memory_space<semaphore_mem>>, %arg8: memref<!tpu.dma_semaphore, #tpu.memory_space<semaphore_mem>>) attributes {dimension_semantics = [#tpu.dimension_semantics<core_parallel>, #tpu.dimension_semantics<subcore_parallel>], iteration_bounds = array<i64: 2, 16>, scalar_prefetch = 0 : i64, scratch_operands = 5 : i64, tpu.core_type = #tpu.core_type<sc_vector_subcore>, window_params = [{transform_indices = #map}, {transform_indices = #map1}]} {
    %mul3A = arith.constant 2 : i32
    %mul3A_0 = arith.muli %arg1, %mul3A : i32
    %add3A = arith.addi %mul3A_0, %arg0 : i32
    %mul3A_1 = arith.constant 512 : i32
    %mul3A_2 = arith.muli %add3A, %mul3A_1 : i32
    %add3A_3 = arith.constant 0 : i32
    %add3A_4 = arith.addi %mul3A_2, %add3A_3 : i32
    %dma_start3A = arith.constant 0 : i32
    %dma_start3A_5 = tpu.memref_slice %arg2[%add3A_4, %dma_start3A] : memref<16384x1024xf32, #tpu.memory_space<hbm>> -> memref<16x1024xf32, #tpu.memory_space<hbm>>
    %dma_start3A_6 = arith.constant 0 : i32
    %dma_start3A_7 = tpu.memref_slice %arg2[%add3A_4, %dma_start3A_6] : memref<16384x1024xf32, #tpu.memory_space<hbm>> -> memref<16x1024xf32, #tpu.memory_space<hbm>>
    tpu.enqueue_dma source(%dma_start3A_7 : memref<16x1024xf32, #tpu.memory_space<hbm>>) target(%arg4 : memref<16x1024xf32, #tpu.memory_space<vmem>>) target_semaphore(%arg7 : memref<!tpu.dma_semaphore, #tpu.memory_space<semaphore_mem>>)
    %scan3A = arith.constant 0 : i32
    %scan3A_8 = arith.constant 0 : i32
    %scan3A_9 = arith.constant 16 : i32
    %scan3A_10 = arith.addi %scan3A_8, %scan3A_9 : i32
    %scan3A_11 = arith.constant 1 : i32
    %scan3A_12 = scf.for %scan3A_14 = %scan3A_8 to %scan3A_10 step %scan3A_11 iter_args(%scan3A_15 = %scan3A) -> (i32)  : i32 {
      %mul3A_16 = arith.constant 2 : i32
      %mul3A_17 = arith.muli %scan3A_14, %mul3A_16 : i32
      %mul3A_18 = arith.constant 16 : i32
      %mul3A_19 = arith.muli %mul3A_17, %mul3A_18 : i32
      %add3A_20 = arith.addi %mul3A_2, %mul3A_19 : i32
      %dma_wait3A = arith.constant 0 : i32
      %dma_wait3A_21 = tpu.memref_slice %arg2[%add3A_20, %dma_wait3A] : memref<16384x1024xf32, #tpu.memory_space<hbm>> -> memref<16x1024xf32, #tpu.memory_space<hbm>>
      %dma_wait3A_22 = arith.constant 0 : i32
      %dma_wait3A_23 = tpu.memref_slice %arg2[%add3A_20, %dma_wait3A_22] : memref<16384x1024xf32, #tpu.memory_space<hbm>> -> memref<16x1024xf32, #tpu.memory_space<hbm>>
      tpu.wait_dma2 semaphore(%arg7 : memref<!tpu.dma_semaphore, #tpu.memory_space<semaphore_mem>>) src(%dma_wait3A_23 : memref<16x1024xf32, #tpu.memory_space<hbm>>) dst(%arg4 : memref<16x1024xf32, #tpu.memory_space<vmem>>)
      %add3A_24 = arith.constant 1 : i32
      %add3A_25 = arith.addi %mul3A_17, %add3A_24 : i32
      %lt3A = arith.constant 32 : i32
      %lt3A_26 = arith.cmpi slt, %add3A_25, %lt3A : i32
      %convert_element_type3A = arith.extui %lt3A_26 : i1 to i32
      %cond3A = arith.constant 0 : i32
      %cond3A_27 = arith.cmpi ne, %convert_element_type3A, %cond3A : i32
      scf.if %cond3A_27 {
        %add3A_609 = arith.constant 1 : i32
        %add3A_610 = arith.addi %mul3A_17, %add3A_609 : i32
        %mul3A_611 = arith.constant 16 : i32
        %mul3A_612 = arith.muli %add3A_610, %mul3A_611 : i32
        %add3A_613 = arith.addi %mul3A_2, %mul3A_612 : i32
        %dma_start3A_614 = arith.constant 0 : i32
        %dma_start3A_615 = tpu.memref_slice %arg2[%add3A_613, %dma_start3A_614] : memref<16384x1024xf32, #tpu.memory_space<hbm>> -> memref<16x1024xf32, #tpu.memory_space<hbm>>
        %dma_start3A_616 = arith.constant 0 : i32
        %dma_start3A_617 = tpu.memref_slice %arg2[%add3A_613, %dma_start3A_616] : memref<16384x1024xf32, #tpu.memory_space<hbm>> -> memref<16x1024xf32, #tpu.memory_space<hbm>>
        tpu.enqueue_dma source(%dma_start3A_617 : memref<16x1024xf32, #tpu.memory_space<hbm>>) target(%arg5 : memref<16x1024xf32, #tpu.memory_space<vmem>>) target_semaphore(%arg8 : memref<!tpu.dma_semaphore, #tpu.memory_space<semaphore_mem>>)
      } else {
      }
      %get3A = arith.constant 0 : i32
      %get3A_28 = arith.index_cast %get3A : i32 to index
      %get3A_29 = arith.constant 0 : index
      %get3A_30 = tpu.vector_load %arg4[%get3A_28, %get3A_29] {strides = array<i32>} : memref<16x1024xf32, #tpu.memory_space<vmem>>, vector<16xf32>,
      %masked_sort3A = arith.constant dense<true> : vector<16xi1>
      %masked_sort3A_31, %masked_sort3A_32, %masked_sort3A_33 = tpu.sort %get3A_30, %get3A_30 masked %masked_sort3A : (vector<16xf32>, vector<16xf32>, vector<16xi1>) -> (vector<16xi1>, vector<16xf32>, vector<16xf32>)
      %get3A_34 = arith.constant 1 : i32
      %get3A_35 = arith.index_cast %get3A_34 : i32 to index
      %get3A_36 = arith.constant 0 : index
      %get3A_37 = tpu.vector_load %arg4[%get3A_35, %get3A_36] {strides = array<i32>} : memref<16x1024xf32, #tpu.memory_space<vmem>>, vector<16xf32>,
      %masked_sort3A_38 = arith.constant dense<true> : vector<16xi1>
      %masked_sort3A_39, %masked_sort3A_40, %masked_sort3A_41 = tpu.sort %get3A_37, %get3A_37 masked %masked_sort3A_38 : (vector<16xf32>, vector<16xf32>, vector<16xi1>) -> (vector<16xi1>, vector<16xf32>, vector<16xf32>)
      %get3A_42 = arith.constant 2 : i32
      %get3A_43 = arith.index_cast %get3A_42 : i32 to index
      %get3A_44 = arith.constant 0 : index
      %get3A_45 = tpu.vector_load %arg4[%get3A_43, %get3A_44] {strides = array<i32>} : memref<16x1024xf32, #tpu.memory_space<vmem>>, vector<16xf32>,
      %masked_sort3A_46 = arith.constant dense<true> : vector<16xi1>
      %masked_sort3A_47, %masked_sort3A_48, %masked_sort3A_49 = tpu.sort %get3A_45, %get3A_45 masked %masked_sort3A_46 : (vector<16xf32>, vector<16xf32>, vector<16xi1>) -> (vector<16xi1>, vector<16xf32>, vector<16xf32>)
      %get3A_50 = arith.constant 3 : i32
      %get3A_51 = arith.index_cast %get3A_50 : i32 to index
      %get3A_52 = arith.constant 0 : index
      %get3A_53 = tpu.vector_load %arg4[%get3A_51, %get3A_52] {strides = array<i32>} : memref<16x1024xf32, #tpu.memory_space<vmem>>, vector<16xf32>,
      %masked_sort3A_54 = arith.constant dense<true> : vector<16xi1>
      %masked_sort3A_55, %masked_sort3A_56, %masked_sort3A_57 = tpu.sort %get3A_53, %get3A_53 masked %masked_sort3A_54 : (vector<16xf32>, vector<16xf32>, vector<16xi1>) -> (vector<16xi1>, vector<16xf32>, vector<16xf32>)
      %get3A_58 = arith.constant 4 : i32
      %get3A_59 = arith.index_cast %get3A_58 : i32 to index
      %get3A_60 = arith.constant 0 : index
      %get3A_61 = tpu.vector_load %arg4[%get3A_59, %get3A_60] {strides = array<i32>} : memref<16x1024xf32, #tpu.memory_space<vmem>>, vector<16xf32>,
      %masked_sort3A_62 = arith.constant dense<true> : vector<16xi1>
      %masked_sort3A_63, %masked_sort3A_64, %masked_sort3A_65 = tpu.sort %get3A_61, %get3A_61 masked %masked_sort3A_62 : (vector<16xf32>, vector<16xf32>, vector<16xi1>) -> (vector<16xi1>, vector<16xf32>, vector<16xf32>)
      %get3A_66 = arith.constant 5 : i32
      %get3A_67 = arith.index_cast %get3A_66 : i32 to index
      %get3A_68 = arith.constant 0 : index
      %get3A_69 = tpu.vector_load %arg4[%get3A_67, %get3A_68] {strides = array<i32>} : memref<16x1024xf32, #tpu.memory_space<vmem>>, vector<16xf32>,
      %masked_sort3A_70 = arith.constant dense<true> : vector<16xi1>
      %masked_sort3A_71, %masked_sort3A_72, %masked_sort3A_73 = tpu.sort %get3A_69, %get3A_69 masked %masked_sort3A_70 : (vector<16xf32>, vector<16xf32>, vector<16xi1>) -> (vector<16xi1>, vector<16xf32>, vector<16xf32>)
      %get3A_74 = arith.constant 6 : i32
      %get3A_75 = arith.index_cast %get3A_74 : i32 to index
      %get3A_76 = arith.constant 0 : index
      %get3A_77 = tpu.vector_load %arg4[%get3A_75, %get3A_76] {strides = array<i32>} : memref<16x1024xf32, #tpu.memory_space<vmem>>, vector<16xf32>,
      %masked_sort3A_78 = arith.constant dense<true> : vector<16xi1>
      %masked_sort3A_79, %masked_sort3A_80, %masked_sort3A_81 = tpu.sort %get3A_77, %get3A_77 masked %masked_sort3A_78 : (vector<16xf32>, vector<16xf32>, vector<16xi1>) -> (vector<16xi1>, vector<16xf32>, vector<16xf32>)
      %get3A_82 = arith.constant 7 : i32
      %get3A_83 = arith.index_cast %get3A_82 : i32 to index
      %get3A_84 = arith.constant 0 : index
      %get3A_85 = tpu.vector_load %arg4[%get3A_83, %get3A_84] {strides = array<i32>} : memref<16x1024xf32, #tpu.memory_space<vmem>>, vector<16xf32>,
      %masked_sort3A_86 = arith.constant dense<true> : vector<16xi1>
      %masked_sort3A_87, %masked_sort3A_88, %masked_sort3A_89 = tpu.sort %get3A_85, %get3A_85 masked %masked_sort3A_86 : (vector<16xf32>, vector<16xf32>, vector<16xi1>) -> (vector<16xi1>, vector<16xf32>, vector<16xf32>)
      %get3A_90 = arith.constant 8 : i32
      %get3A_91 = arith.index_cast %get3A_90 : i32 to index
      %get3A_92 = arith.constant 0 : index
      %get3A_93 = tpu.vector_load %arg4[%get3A_91, %get3A_92] {strides = array<i32>} : memref<16x1024xf32, #tpu.memory_space<vmem>>, vector<16xf32>,
      %masked_sort3A_94 = arith.constant dense<true> : vector<16xi1>
      %masked_sort3A_95, %masked_sort3A_96, %masked_sort3A_97 = tpu.sort %get3A_93, %get3A_93 masked %masked_sort3A_94 : (vector<16xf32>, vector<16xf32>, vector<16xi1>) -> (vector<16xi1>, vector<16xf32>, vector<16xf32>)
      %get3A_98 = arith.constant 9 : i32
      %get3A_99 = arith.index_cast %get3A_98 : i32 to index
      %get3A_100 = arith.constant 0 : index
      %get3A_101 = tpu.vector_load %arg4[%get3A_99, %get3A_100] {strides = array<i32>} : memref<16x1024xf32, #tpu.memory_space<vmem>>, vector<16xf32>,
      %masked_sort3A_102 = arith.constant dense<true> : vector<16xi1>
      %masked_sort3A_103, %masked_sort3A_104, %masked_sort3A_105 = tpu.sort %get3A_101, %get3A_101 masked %masked_sort3A_102 : (vector<16xf32>, vector<16xf32>, vector<16xi1>) -> (vector<16xi1>, vector<16xf32>, vector<16xf32>)
      %get3A_106 = arith.constant 10 : i32
      %get3A_107 = arith.index_cast %get3A_106 : i32 to index
      %get3A_108 = arith.constant 0 : index
      %get3A_109 = tpu.vector_load %arg4[%get3A_107, %get3A_108] {strides = array<i32>} : memref<16x1024xf32, #tpu.memory_space<vmem>>, vector<16xf32>,
      %masked_sort3A_110 = arith.constant dense<true> : vector<16xi1>
      %masked_sort3A_111, %masked_sort3A_112, %masked_sort3A_113 = tpu.sort %get3A_109, %get3A_109 masked %masked_sort3A_110 : (vector<16xf32>, vector<16xf32>, vector<16xi1>) -> (vector<16xi1>, vector<16xf32>, vector<16xf32>)
      %get3A_114 = arith.constant 11 : i32
      %get3A_115 = arith.index_cast %get3A_114 : i32 to index
      %get3A_116 = arith.constant 0 : index
      %get3A_117 = tpu.vector_load %arg4[%get3A_115, %get3A_116] {strides = array<i32>} : memref<16x1024xf32, #tpu.memory_space<vmem>>, vector<16xf32>,
      %masked_sort3A_118 = arith.constant dense<true> : vector<16xi1>
      %masked_sort3A_119, %masked_sort3A_120, %masked_sort3A_121 = tpu.sort %get3A_117, %get3A_117 masked %masked_sort3A_118 : (vector<16xf32>, vector<16xf32>, vector<16xi1>) -> (vector<16xi1>, vector<16xf32>, vector<16xf32>)
      %get3A_122 = arith.constant 12 : i32
      %get3A_123 = arith.index_cast %get3A_122 : i32 to index
      %get3A_124 = arith.constant 0 : index
      %get3A_125 = tpu.vector_load %arg4[%get3A_123, %get3A_124] {strides = array<i32>} : memref<16x1024xf32, #tpu.memory_space<vmem>>, vector<16xf32>,
      %masked_sort3A_126 = arith.constant dense<true> : vector<16xi1>
      %masked_sort3A_127, %masked_sort3A_128, %masked_sort3A_129 = tpu.sort %get3A_125, %get3A_125 masked %masked_sort3A_126 : (vector<16xf32>, vector<16xf32>, vector<16xi1>) -> (vector<16xi1>, vector<16xf32>, vector<16xf32>)
      %get3A_130 = arith.constant 13 : i32
      %get3A_131 = arith.index_cast %get3A_130 : i32 to index
      %get3A_132 = arith.constant 0 : index
      %get3A_133 = tpu.vector_load %arg4[%get3A_131, %get3A_132] {strides = array<i32>} : memref<16x1024xf32, #tpu.memory_space<vmem>>, vector<16xf32>,
      %masked_sort3A_134 = arith.constant dense<true> : vector<16xi1>
      %masked_sort3A_135, %masked_sort3A_136, %masked_sort3A_137 = tpu.sort %get3A_133, %get3A_133 masked %masked_sort3A_134 : (vector<16xf32>, vector<16xf32>, vector<16xi1>) -> (vector<16xi1>, vector<16xf32>, vector<16xf32>)
      %get3A_138 = arith.constant 14 : i32
      %get3A_139 = arith.index_cast %get3A_138 : i32 to index
      %get3A_140 = arith.constant 0 : index
      %get3A_141 = tpu.vector_load %arg4[%get3A_139, %get3A_140] {strides = array<i32>} : memref<16x1024xf32, #tpu.memory_space<vmem>>, vector<16xf32>,
      %masked_sort3A_142 = arith.constant dense<true> : vector<16xi1>
      %masked_sort3A_143, %masked_sort3A_144, %masked_sort3A_145 = tpu.sort %get3A_141, %get3A_141 masked %masked_sort3A_142 : (vector<16xf32>, vector<16xf32>, vector<16xi1>) -> (vector<16xi1>, vector<16xf32>, vector<16xf32>)
      %get3A_146 = arith.constant 15 : i32
      %get3A_147 = arith.index_cast %get3A_146 : i32 to index
      %get3A_148 = arith.constant 0 : index
      %get3A_149 = tpu.vector_load %arg4[%get3A_147, %get3A_148] {strides = array<i32>} : memref<16x1024xf32, #tpu.memory_space<vmem>>, vector<16xf32>,
      %masked_sort3A_150 = arith.constant dense<true> : vector<16xi1>
      %masked_sort3A_151, %masked_sort3A_152, %masked_sort3A_153 = tpu.sort %get3A_149, %get3A_149 masked %masked_sort3A_150 : (vector<16xf32>, vector<16xf32>, vector<16xi1>) -> (vector<16xi1>, vector<16xf32>, vector<16xf32>)
      %scan3A_154 = arith.constant 1 : i32
      %scan3A_155 = arith.constant 63 : i32
      %scan3A_156 = arith.addi %scan3A_154, %scan3A_155 : i32
      %scan3A_157 = arith.constant 1 : i32
      %scan3A_158:16 = scf.for %scan3A_609 = %scan3A_154 to %scan3A_156 step %scan3A_157 iter_args(%scan3A_610 = %masked_sort3A_32, %scan3A_611 = %masked_sort3A_40, %scan3A_612 = %masked_sort3A_48, %scan3A_613 = %masked_sort3A_56, %scan3A_614 = %masked_sort3A_64, %scan3A_615 = %masked_sort3A_72, %scan3A_616 = %masked_sort3A_80, %scan3A_617 = %masked_sort3A_88, %scan3A_618 = %masked_sort3A_96, %scan3A_619 = %masked_sort3A_104, %scan3A_620 = %masked_sort3A_112, %scan3A_621 = %masked_sort3A_120, %scan3A_622 = %masked_sort3A_128, %scan3A_623 = %masked_sort3A_136, %scan3A_624 = %masked_sort3A_144, %scan3A_625 = %masked_sort3A_152) -> (vector<16xf32>, vector<16xf32>, vector<16xf32>, vector<16xf32>, vector<16xf32>, vector<16xf32>, vector<16xf32>, vector<16xf32>, vector<16xf32>, vector<16xf32>, vector<16xf32>, vector<16xf32>, vector<16xf32>, vector<16xf32>, vector<16xf32>, vector<16xf32>)  : i32 {
        %mul3A_626 = arith.constant 16 : i32
        %mul3A_627 = arith.muli %scan3A_609, %mul3A_626 : i32
        %get3A_628 = arith.constant 0 : i32
        %get3A_629 = arith.index_cast %get3A_628 : i32 to index
        %get3A_630 = arith.index_cast %mul3A_627 : i32 to index
        %get3A_631 = tpu.vector_load %arg4[%get3A_629, %get3A_630] {strides = array<i32>} : memref<16x1024xf32, #tpu.memory_space<vmem>>, vector<16xf32>,
        %masked_sort3A_632 = arith.constant dense<true> : vector<16xi1>
        %masked_sort3A_633, %masked_sort3A_634, %masked_sort3A_635 = tpu.sort %get3A_631, %get3A_631 masked %masked_sort3A_632 {descending = true} : (vector<16xf32>, vector<16xf32>, vector<16xi1>) -> (vector<16xi1>, vector<16xf32>, vector<16xf32>)
        %min3A = arith.minimumf %scan3A_610, %masked_sort3A_634 : vector<16xf32>
        %masked_sort3A_636 = arith.constant dense<true> : vector<16xi1>
        %masked_sort3A_637, %masked_sort3A_638, %masked_sort3A_639 = tpu.sort %min3A, %min3A masked %masked_sort3A_636 : (vector<16xf32>, vector<16xf32>, vector<16xi1>) -> (vector<16xi1>, vector<16xf32>, vector<16xf32>)
        %mul3A_640 = arith.constant 16 : i32
        %mul3A_641 = arith.muli %scan3A_609, %mul3A_640 : i32
        %get3A_642 = arith.constant 1 : i32
        %get3A_643 = arith.index_cast %get3A_642 : i32 to index
        %get3A_644 = arith.index_cast %mul3A_641 : i32 to index
        %get3A_645 = tpu.vector_load %arg4[%get3A_643, %get3A_644] {strides = array<i32>} : memref<16x1024xf32, #tpu.memory_space<vmem>>, vector<16xf32>,
        %masked_sort3A_646 = arith.constant dense<true> : vector<16xi1>
        %masked_sort3A_647, %masked_sort3A_648, %masked_sort3A_649 = tpu.sort %get3A_645, %get3A_645 masked %masked_sort3A_646 {descending = true} : (vector<16xf32>, vector<16xf32>, vector<16xi1>) -> (vector<16xi1>, vector<16xf32>, vector<16xf32>)
        %min3A_650 = arith.minimumf %scan3A_611, %masked_sort3A_648 : vector<16xf32>
        %masked_sort3A_651 = arith.constant dense<true> : vector<16xi1>
        %masked_sort3A_652, %masked_sort3A_653, %masked_sort3A_654 = tpu.sort %min3A_650, %min3A_650 masked %masked_sort3A_651 : (vector<16xf32>, vector<16xf32>, vector<16xi1>) -> (vector<16xi1>, vector<16xf32>, vector<16xf32>)
        %mul3A_655 = arith.constant 16 : i32
        %mul3A_656 = arith.muli %scan3A_609, %mul3A_655 : i32
        %get3A_657 = arith.constant 2 : i32
        %get3A_658 = arith.index_cast %get3A_657 : i32 to index
        %get3A_659 = arith.index_cast %mul3A_656 : i32 to index
        %get3A_660 = tpu.vector_load %arg4[%get3A_658, %get3A_659] {strides = array<i32>} : memref<16x1024xf32, #tpu.memory_space<vmem>>, vector<16xf32>,
        %masked_sort3A_661 = arith.constant dense<true> : vector<16xi1>
        %masked_sort3A_662, %masked_sort3A_663, %masked_sort3A_664 = tpu.sort %get3A_660, %get3A_660 masked %masked_sort3A_661 {descending = true} : (vector<16xf32>, vector<16xf32>, vector<16xi1>) -> (vector<16xi1>, vector<16xf32>, vector<16xf32>)
        %min3A_665 = arith.minimumf %scan3A_612, %masked_sort3A_663 : vector<16xf32>
        %masked_sort3A_666 = arith.constant dense<true> : vector<16xi1>
        %masked_sort3A_667, %masked_sort3A_668, %masked_sort3A_669 = tpu.sort %min3A_665, %min3A_665 masked %masked_sort3A_666 : (vector<16xf32>, vector<16xf32>, vector<16xi1>) -> (vector<16xi1>, vector<16xf32>, vector<16xf32>)
        %mul3A_670 = arith.constant 16 : i32
        %mul3A_671 = arith.muli %scan3A_609, %mul3A_670 : i32
        %get3A_672 = arith.constant 3 : i32
        %get3A_673 = arith.index_cast %get3A_672 : i32 to index
        %get3A_674 = arith.index_cast %mul3A_671 : i32 to index
        %get3A_675 = tpu.vector_load %arg4[%get3A_673, %get3A_674] {strides = array<i32>} : memref<16x1024xf32, #tpu.memory_space<vmem>>, vector<16xf32>,
        %masked_sort3A_676 = arith.constant dense<true> : vector<16xi1>
        %masked_sort3A_677, %masked_sort3A_678, %masked_sort3A_679 = tpu.sort %get3A_675, %get3A_675 masked %masked_sort3A_676 {descending = true} : (vector<16xf32>, vector<16xf32>, vector<16xi1>) -> (vector<16xi1>, vector<16xf32>, vector<16xf32>)
        %min3A_680 = arith.minimumf %scan3A_613, %masked_sort3A_678 : vector<16xf32>
        %masked_sort3A_681 = arith.constant dense<true> : vector<16xi1>
        %masked_sort3A_682, %masked_sort3A_683, %masked_sort3A_684 = tpu.sort %min3A_680, %min3A_680 masked %masked_sort3A_681 : (vector<16xf32>, vector<16xf32>, vector<16xi1>) -> (vector<16xi1>, vector<16xf32>, vector<16xf32>)
        %mul3A_685 = arith.constant 16 : i32
        %mul3A_686 = arith.muli %scan3A_609, %mul3A_685 : i32
        %get3A_687 = arith.constant 4 : i32
        %get3A_688 = arith.index_cast %get3A_687 : i32 to index
        %get3A_689 = arith.index_cast %mul3A_686 : i32 to index
        %get3A_690 = tpu.vector_load %arg4[%get3A_688, %get3A_689] {strides = array<i32>} : memref<16x1024xf32, #tpu.memory_space<vmem>>, vector<16xf32>,
        %masked_sort3A_691 = arith.constant dense<true> : vector<16xi1>
        %masked_sort3A_692, %masked_sort3A_693, %masked_sort3A_694 = tpu.sort %get3A_690, %get3A_690 masked %masked_sort3A_691 {descending = true} : (vector<16xf32>, vector<16xf32>, vector<16xi1>) -> (vector<16xi1>, vector<16xf32>, vector<16xf32>)
        %min3A_695 = arith.minimumf %scan3A_614, %masked_sort3A_693 : vector<16xf32>
        %masked_sort3A_696 = arith.constant dense<true> : vector<16xi1>
        %masked_sort3A_697, %masked_sort3A_698, %masked_sort3A_699 = tpu.sort %min3A_695, %min3A_695 masked %masked_sort3A_696 : (vector<16xf32>, vector<16xf32>, vector<16xi1>) -> (vector<16xi1>, vector<16xf32>, vector<16xf32>)
        %mul3A_700 = arith.constant 16 : i32
        %mul3A_701 = arith.muli %scan3A_609, %mul3A_700 : i32
        %get3A_702 = arith.constant 5 : i32
        %get3A_703 = arith.index_cast %get3A_702 : i32 to index
        %get3A_704 = arith.index_cast %mul3A_701 : i32 to index
        %get3A_705 = tpu.vector_load %arg4[%get3A_703, %get3A_704] {strides = array<i32>} : memref<16x1024xf32, #tpu.memory_space<vmem>>, vector<16xf32>,
        %masked_sort3A_706 = arith.constant dense<true> : vector<16xi1>
        %masked_sort3A_707, %masked_sort3A_708, %masked_sort3A_709 = tpu.sort %get3A_705, %get3A_705 masked %masked_sort3A_706 {descending = true} : (vector<16xf32>, vector<16xf32>, vector<16xi1>) -> (vector<16xi1>, vector<16xf32>, vector<16xf32>)
        %min3A_710 = arith.minimumf %scan3A_615, %masked_sort3A_708 : vector<16xf32>
        %masked_sort3A_711 = arith.constant dense<true> : vector<16xi1>
        %masked_sort3A_712, %masked_sort3A_713, %masked_sort3A_714 = tpu.sort %min3A_710, %min3A_710 masked %masked_sort3A_711 : (vector<16xf32>, vector<16xf32>, vector<16xi1>) -> (vector<16xi1>, vector<16xf32>, vector<16xf32>)
        %mul3A_715 = arith.constant 16 : i32
        %mul3A_716 = arith.muli %scan3A_609, %mul3A_715 : i32
        %get3A_717 = arith.constant 6 : i32
        %get3A_718 = arith.index_cast %get3A_717 : i32 to index
        %get3A_719 = arith.index_cast %mul3A_716 : i32 to index
        %get3A_720 = tpu.vector_load %arg4[%get3A_718, %get3A_719] {strides = array<i32>} : memref<16x1024xf32, #tpu.memory_space<vmem>>, vector<16xf32>,
        %masked_sort3A_721 = arith.constant dense<true> : vector<16xi1>
        %masked_sort3A_722, %masked_sort3A_723, %masked_sort3A_724 = tpu.sort %get3A_720, %get3A_720 masked %masked_sort3A_721 {descending = true} : (vector<16xf32>, vector<16xf32>, vector<16xi1>) -> (vector<16xi1>, vector<16xf32>, vector<16xf32>)
        %min3A_725 = arith.minimumf %scan3A_616, %masked_sort3A_723 : vector<16xf32>
        %masked_sort3A_726 = arith.constant dense<true> : vector<16xi1>
        %masked_sort3A_727, %masked_sort3A_728, %masked_sort3A_729 = tpu.sort %min3A_725, %min3A_725 masked %masked_sort3A_726 : (vector<16xf32>, vector<16xf32>, vector<16xi1>) -> (vector<16xi1>, vector<16xf32>, vector<16xf32>)
        %mul3A_730 = arith.constant 16 : i32
        %mul3A_731 = arith.muli %scan3A_609, %mul3A_730 : i32
        %get3A_732 = arith.constant 7 : i32
        %get3A_733 = arith.index_cast %get3A_732 : i32 to index
        %get3A_734 = arith.index_cast %mul3A_731 : i32 to index
        %get3A_735 = tpu.vector_load %arg4[%get3A_733, %get3A_734] {strides = array<i32>} : memref<16x1024xf32, #tpu.memory_space<vmem>>, vector<16xf32>,
        %masked_sort3A_736 = arith.constant dense<true> : vector<16xi1>
        %masked_sort3A_737, %masked_sort3A_738, %masked_sort3A_739 = tpu.sort %get3A_735, %get3A_735 masked %masked_sort3A_736 {descending = true} : (vector<16xf32>, vector<16xf32>, vector<16xi1>) -> (vector<16xi1>, vector<16xf32>, vector<16xf32>)
        %min3A_740 = arith.minimumf %scan3A_617, %masked_sort3A_738 : vector<16xf32>
        %masked_sort3A_741 = arith.constant dense<true> : vector<16xi1>
        %masked_sort3A_742, %masked_sort3A_743, %masked_sort3A_744 = tpu.sort %min3A_740, %min3A_740 masked %masked_sort3A_741 : (vector<16xf32>, vector<16xf32>, vector<16xi1>) -> (vector<16xi1>, vector<16xf32>, vector<16xf32>)
        %mul3A_745 = arith.constant 16 : i32
        %mul3A_746 = arith.muli %scan3A_609, %mul3A_745 : i32
        %get3A_747 = arith.constant 8 : i32
        %get3A_748 = arith.index_cast %get3A_747 : i32 to index
        %get3A_749 = arith.index_cast %mul3A_746 : i32 to index
        %get3A_750 = tpu.vector_load %arg4[%get3A_748, %get3A_749] {strides = array<i32>} : memref<16x1024xf32, #tpu.memory_space<vmem>>, vector<16xf32>,
        %masked_sort3A_751 = arith.constant dense<true> : vector<16xi1>
        %masked_sort3A_752, %masked_sort3A_753, %masked_sort3A_754 = tpu.sort %get3A_750, %get3A_750 masked %masked_sort3A_751 {descending = true} : (vector<16xf32>, vector<16xf32>, vector<16xi1>) -> (vector<16xi1>, vector<16xf32>, vector<16xf32>)
        %min3A_755 = arith.minimumf %scan3A_618, %masked_sort3A_753 : vector<16xf32>
        %masked_sort3A_756 = arith.constant dense<true> : vector<16xi1>
        %masked_sort3A_757, %masked_sort3A_758, %masked_sort3A_759 = tpu.sort %min3A_755, %min3A_755 masked %masked_sort3A_756 : (vector<16xf32>, vector<16xf32>, vector<16xi1>) -> (vector<16xi1>, vector<16xf32>, vector<16xf32>)
        %mul3A_760 = arith.constant 16 : i32
        %mul3A_761 = arith.muli %scan3A_609, %mul3A_760 : i32
        %get3A_762 = arith.constant 9 : i32
        %get3A_763 = arith.index_cast %get3A_762 : i32 to index
        %get3A_764 = arith.index_cast %mul3A_761 : i32 to index
        %get3A_765 = tpu.vector_load %arg4[%get3A_763, %get3A_764] {strides = array<i32>} : memref<16x1024xf32, #tpu.memory_space<vmem>>, vector<16xf32>,
        %masked_sort3A_766 = arith.constant dense<true> : vector<16xi1>
        %masked_sort3A_767, %masked_sort3A_768, %masked_sort3A_769 = tpu.sort %get3A_765, %get3A_765 masked %masked_sort3A_766 {descending = true} : (vector<16xf32>, vector<16xf32>, vector<16xi1>) -> (vector<16xi1>, vector<16xf32>, vector<16xf32>)
        %min3A_770 = arith.minimumf %scan3A_619, %masked_sort3A_768 : vector<16xf32>
        %masked_sort3A_771 = arith.constant dense<true> : vector<16xi1>
        %masked_sort3A_772, %masked_sort3A_773, %masked_sort3A_774 = tpu.sort %min3A_770, %min3A_770 masked %masked_sort3A_771 : (vector<16xf32>, vector<16xf32>, vector<16xi1>) -> (vector<16xi1>, vector<16xf32>, vector<16xf32>)
        %mul3A_775 = arith.constant 16 : i32
        %mul3A_776 = arith.muli %scan3A_609, %mul3A_775 : i32
        %get3A_777 = arith.constant 10 : i32
        %get3A_778 = arith.index_cast %get3A_777 : i32 to index
        %get3A_779 = arith.index_cast %mul3A_776 : i32 to index
        %get3A_780 = tpu.vector_load %arg4[%get3A_778, %get3A_779] {strides = array<i32>} : memref<16x1024xf32, #tpu.memory_space<vmem>>, vector<16xf32>,
        %masked_sort3A_781 = arith.constant dense<true> : vector<16xi1>
        %masked_sort3A_782, %masked_sort3A_783, %masked_sort3A_784 = tpu.sort %get3A_780, %get3A_780 masked %masked_sort3A_781 {descending = true} : (vector<16xf32>, vector<16xf32>, vector<16xi1>) -> (vector<16xi1>, vector<16xf32>, vector<16xf32>)
        %min3A_785 = arith.minimumf %scan3A_620, %masked_sort3A_783 : vector<16xf32>
        %masked_sort3A_786 = arith.constant dense<true> : vector<16xi1>
        %masked_sort3A_787, %masked_sort3A_788, %masked_sort3A_789 = tpu.sort %min3A_785, %min3A_785 masked %masked_sort3A_786 : (vector<16xf32>, vector<16xf32>, vector<16xi1>) -> (vector<16xi1>, vector<16xf32>, vector<16xf32>)
        %mul3A_790 = arith.constant 16 : i32
        %mul3A_791 = arith.muli %scan3A_609, %mul3A_790 : i32
        %get3A_792 = arith.constant 11 : i32
        %get3A_793 = arith.index_cast %get3A_792 : i32 to index
        %get3A_794 = arith.index_cast %mul3A_791 : i32 to index
        %get3A_795 = tpu.vector_load %arg4[%get3A_793, %get3A_794] {strides = array<i32>} : memref<16x1024xf32, #tpu.memory_space<vmem>>, vector<16xf32>,
        %masked_sort3A_796 = arith.constant dense<true> : vector<16xi1>
        %masked_sort3A_797, %masked_sort3A_798, %masked_sort3A_799 = tpu.sort %get3A_795, %get3A_795 masked %masked_sort3A_796 {descending = true} : (vector<16xf32>, vector<16xf32>, vector<16xi1>) -> (vector<16xi1>, vector<16xf32>, vector<16xf32>)
        %min3A_800 = arith.minimumf %scan3A_621, %masked_sort3A_798 : vector<16xf32>
        %masked_sort3A_801 = arith.constant dense<true> : vector<16xi1>
        %masked_sort3A_802, %masked_sort3A_803, %masked_sort3A_804 = tpu.sort %min3A_800, %min3A_800 masked %masked_sort3A_801 : (vector<16xf32>, vector<16xf32>, vector<16xi1>) -> (vector<16xi1>, vector<16xf32>, vector<16xf32>)
        %mul3A_805 = arith.constant 16 : i32
        %mul3A_806 = arith.muli %scan3A_609, %mul3A_805 : i32
        %get3A_807 = arith.constant 12 : i32
        %get3A_808 = arith.index_cast %get3A_807 : i32 to index
        %get3A_809 = arith.index_cast %mul3A_806 : i32 to index
        %get3A_810 = tpu.vector_load %arg4[%get3A_808, %get3A_809] {strides = array<i32>} : memref<16x1024xf32, #tpu.memory_space<vmem>>, vector<16xf32>,
        %masked_sort3A_811 = arith.constant dense<true> : vector<16xi1>
        %masked_sort3A_812, %masked_sort3A_813, %masked_sort3A_814 = tpu.sort %get3A_810, %get3A_810 masked %masked_sort3A_811 {descending = true} : (vector<16xf32>, vector<16xf32>, vector<16xi1>) -> (vector<16xi1>, vector<16xf32>, vector<16xf32>)
        %min3A_815 = arith.minimumf %scan3A_622, %masked_sort3A_813 : vector<16xf32>
        %masked_sort3A_816 = arith.constant dense<true> : vector<16xi1>
        %masked_sort3A_817, %masked_sort3A_818, %masked_sort3A_819 = tpu.sort %min3A_815, %min3A_815 masked %masked_sort3A_816 : (vector<16xf32>, vector<16xf32>, vector<16xi1>) -> (vector<16xi1>, vector<16xf32>, vector<16xf32>)
        %mul3A_820 = arith.constant 16 : i32
        %mul3A_821 = arith.muli %scan3A_609, %mul3A_820 : i32
        %get3A_822 = arith.constant 13 : i32
        %get3A_823 = arith.index_cast %get3A_822 : i32 to index
        %get3A_824 = arith.index_cast %mul3A_821 : i32 to index
        %get3A_825 = tpu.vector_load %arg4[%get3A_823, %get3A_824] {strides = array<i32>} : memref<16x1024xf32, #tpu.memory_space<vmem>>, vector<16xf32>,
        %masked_sort3A_826 = arith.constant dense<true> : vector<16xi1>
        %masked_sort3A_827, %masked_sort3A_828, %masked_sort3A_829 = tpu.sort %get3A_825, %get3A_825 masked %masked_sort3A_826 {descending = true} : (vector<16xf32>, vector<16xf32>, vector<16xi1>) -> (vector<16xi1>, vector<16xf32>, vector<16xf32>)
        %min3A_830 = arith.minimumf %scan3A_623, %masked_sort3A_828 : vector<16xf32>
        %masked_sort3A_831 = arith.constant dense<true> : vector<16xi1>
        %masked_sort3A_832, %masked_sort3A_833, %masked_sort3A_834 = tpu.sort %min3A_830, %min3A_830 masked %masked_sort3A_831 : (vector<16xf32>, vector<16xf32>, vector<16xi1>) -> (vector<16xi1>, vector<16xf32>, vector<16xf32>)
        %mul3A_835 = arith.constant 16 : i32
        %mul3A_836 = arith.muli %scan3A_609, %mul3A_835 : i32
        %get3A_837 = arith.constant 14 : i32
        %get3A_838 = arith.index_cast %get3A_837 : i32 to index
        %get3A_839 = arith.index_cast %mul3A_836 : i32 to index
        %get3A_840 = tpu.vector_load %arg4[%get3A_838, %get3A_839] {strides = array<i32>} : memref<16x1024xf32, #tpu.memory_space<vmem>>, vector<16xf32>,
        %masked_sort3A_841 = arith.constant dense<true> : vector<16xi1>
        %masked_sort3A_842, %masked_sort3A_843, %masked_sort3A_844 = tpu.sort %get3A_840, %get3A_840 masked %masked_sort3A_841 {descending = true} : (vector<16xf32>, vector<16xf32>, vector<16xi1>) -> (vector<16xi1>, vector<16xf32>, vector<16xf32>)
        %min3A_845 = arith.minimumf %scan3A_624, %masked_sort3A_843 : vector<16xf32>
        %masked_sort3A_846 = arith.constant dense<true> : vector<16xi1>
        %masked_sort3A_847, %masked_sort3A_848, %masked_sort3A_849 = tpu.sort %min3A_845, %min3A_845 masked %masked_sort3A_846 : (vector<16xf32>, vector<16xf32>, vector<16xi1>) -> (vector<16xi1>, vector<16xf32>, vector<16xf32>)
        %mul3A_850 = arith.constant 16 : i32
        %mul3A_851 = arith.muli %scan3A_609, %mul3A_850 : i32
        %get3A_852 = arith.constant 15 : i32
        %get3A_853 = arith.index_cast %get3A_852 : i32 to index
        %get3A_854 = arith.index_cast %mul3A_851 : i32 to index
        %get3A_855 = tpu.vector_load %arg4[%get3A_853, %get3A_854] {strides = array<i32>} : memref<16x1024xf32, #tpu.memory_space<vmem>>, vector<16xf32>,
        %masked_sort3A_856 = arith.constant dense<true> : vector<16xi1>
        %masked_sort3A_857, %masked_sort3A_858, %masked_sort3A_859 = tpu.sort %get3A_855, %get3A_855 masked %masked_sort3A_856 {descending = true} : (vector<16xf32>, vector<16xf32>, vector<16xi1>) -> (vector<16xi1>, vector<16xf32>, vector<16xf32>)
        %min3A_860 = arith.minimumf %scan3A_625, %masked_sort3A_858 : vector<16xf32>
        %masked_sort3A_861 = arith.constant dense<true> : vector<16xi1>
        %masked_sort3A_862, %masked_sort3A_863, %masked_sort3A_864 = tpu.sort %min3A_860, %min3A_860 masked %masked_sort3A_861 : (vector<16xf32>, vector<16xf32>, vector<16xi1>) -> (vector<16xi1>, vector<16xf32>, vector<16xf32>)
        scf.yield %masked_sort3A_638, %masked_sort3A_653, %masked_sort3A_668, %masked_sort3A_683, %masked_sort3A_698, %masked_sort3A_713, %masked_sort3A_728, %masked_sort3A_743, %masked_sort3A_758, %masked_sort3A_773, %masked_sort3A_788, %masked_sort3A_803, %masked_sort3A_818, %masked_sort3A_833, %masked_sort3A_848, %masked_sort3A_863 : vector<16xf32>, vector<16xf32>, vector<16xf32>, vector<16xf32>, vector<16xf32>, vector<16xf32>, vector<16xf32>, vector<16xf32>, vector<16xf32>, vector<16xf32>, vector<16xf32>, vector<16xf32>, vector<16xf32>, vector<16xf32>, vector<16xf32>, vector<16xf32>
      }
      %scan3A_159 = arith.constant 63 : i32
      %iota3A = tpu.iota {dimensions = array<i32: 0>} : vector<16xi32>
      %broadcast_in_dim3A = arith.constant 0.000000e+00 : f32
      %broadcast_in_dim3A_160 = vector.broadcast %broadcast_in_dim3A : f32 to vector<16xf32>
      %reduce_max3A = arith.constant true
      %reduce_max3A_161 = vector.broadcast %reduce_max3A : i1 to vector<16xi1>
      %reduce_max3A_162 = tpu.scan <max>, %scan3A_158#0 masked %reduce_max3A_161 : vector<16xf32>, vector<16xi1> -> vector<16xf32>
      %reduce_max3A_163 = vector.extract %reduce_max3A_162[15] : f32 from vector<16xf32>
      %eq3A = arith.constant 0 : i32
      %eq3A_164 = vector.broadcast %eq3A : i32 to vector<16xi32>
      %eq3A_165 = arith.cmpi eq, %iota3A, %eq3A_164 : vector<16xi32>
      %broadcast_in_dim3A_166 = vector.broadcast %reduce_max3A_163 : f32 to vector<16xf32>
      %select_n3A = arith.select %eq3A_165, %broadcast_in_dim3A_166, %broadcast_in_dim3A_160 : vector<16xi1>, vector<16xf32>
      %reduce_max3A_167 = arith.constant true
      %reduce_max3A_168 = vector.broadcast %reduce_max3A_167 : i1 to vector<16xi1>
      %reduce_max3A_169 = tpu.scan <max>, %scan3A_158#1 masked %reduce_max3A_168 : vector<16xf32>, vector<16xi1> -> vector<16xf32>
      %reduce_max3A_170 = vector.extract %reduce_max3A_169[15] : f32 from vector<16xf32>
      %eq3A_171 = arith.constant 1 : i32
      %eq3A_172 = vector.broadcast %eq3A_171 : i32 to vector<16xi32>
      %eq3A_173 = arith.cmpi eq, %iota3A, %eq3A_172 : vector<16xi32>
      %broadcast_in_dim3A_174 = vector.broadcast %reduce_max3A_170 : f32 to vector<16xf32>
      %select_n3A_175 = arith.select %eq3A_173, %broadcast_in_dim3A_174, %select_n3A : vector<16xi1>, vector<16xf32>
      %reduce_max3A_176 = arith.constant true
      %reduce_max3A_177 = vector.broadcast %reduce_max3A_176 : i1 to vector<16xi1>
      %reduce_max3A_178 = tpu.scan <max>, %scan3A_158#2 masked %reduce_max3A_177 : vector<16xf32>, vector<16xi1> -> vector<16xf32>
      %reduce_max3A_179 = vector.extract %reduce_max3A_178[15] : f32 from vector<16xf32>
      %eq3A_180 = arith.constant 2 : i32
      %eq3A_181 = vector.broadcast %eq3A_180 : i32 to vector<16xi32>
      %eq3A_182 = arith.cmpi eq, %iota3A, %eq3A_181 : vector<16xi32>
      %broadcast_in_dim3A_183 = vector.broadcast %reduce_max3A_179 : f32 to vector<16xf32>
      %select_n3A_184 = arith.select %eq3A_182, %broadcast_in_dim3A_183, %select_n3A_175 : vector<16xi1>, vector<16xf32>
      %reduce_max3A_185 = arith.constant true
      %reduce_max3A_186 = vector.broadcast %reduce_max3A_185 : i1 to vector<16xi1>
      %reduce_max3A_187 = tpu.scan <max>, %scan3A_158#3 masked %reduce_max3A_186 : vector<16xf32>, vector<16xi1> -> vector<16xf32>
      %reduce_max3A_188 = vector.extract %reduce_max3A_187[15] : f32 from vector<16xf32>
      %eq3A_189 = arith.constant 3 : i32
      %eq3A_190 = vector.broadcast %eq3A_189 : i32 to vector<16xi32>
      %eq3A_191 = arith.cmpi eq, %iota3A, %eq3A_190 : vector<16xi32>
      %broadcast_in_dim3A_192 = vector.broadcast %reduce_max3A_188 : f32 to vector<16xf32>
      %select_n3A_193 = arith.select %eq3A_191, %broadcast_in_dim3A_192, %select_n3A_184 : vector<16xi1>, vector<16xf32>
      %reduce_max3A_194 = arith.constant true
      %reduce_max3A_195 = vector.broadcast %reduce_max3A_194 : i1 to vector<16xi1>
      %reduce_max3A_196 = tpu.scan <max>, %scan3A_158#4 masked %reduce_max3A_195 : vector<16xf32>, vector<16xi1> -> vector<16xf32>
      %reduce_max3A_197 = vector.extract %reduce_max3A_196[15] : f32 from vector<16xf32>
      %eq3A_198 = arith.constant 4 : i32
      %eq3A_199 = vector.broadcast %eq3A_198 : i32 to vector<16xi32>
      %eq3A_200 = arith.cmpi eq, %iota3A, %eq3A_199 : vector<16xi32>
      %broadcast_in_dim3A_201 = vector.broadcast %reduce_max3A_197 : f32 to vector<16xf32>
      %select_n3A_202 = arith.select %eq3A_200, %broadcast_in_dim3A_201, %select_n3A_193 : vector<16xi1>, vector<16xf32>
      %reduce_max3A_203 = arith.constant true
      %reduce_max3A_204 = vector.broadcast %reduce_max3A_203 : i1 to vector<16xi1>
      %reduce_max3A_205 = tpu.scan <max>, %scan3A_158#5 masked %reduce_max3A_204 : vector<16xf32>, vector<16xi1> -> vector<16xf32>
      %reduce_max3A_206 = vector.extract %reduce_max3A_205[15] : f32 from vector<16xf32>
      %eq3A_207 = arith.constant 5 : i32
      %eq3A_208 = vector.broadcast %eq3A_207 : i32 to vector<16xi32>
      %eq3A_209 = arith.cmpi eq, %iota3A, %eq3A_208 : vector<16xi32>
      %broadcast_in_dim3A_210 = vector.broadcast %reduce_max3A_206 : f32 to vector<16xf32>
      %select_n3A_211 = arith.select %eq3A_209, %broadcast_in_dim3A_210, %select_n3A_202 : vector<16xi1>, vector<16xf32>
      %reduce_max3A_212 = arith.constant true
      %reduce_max3A_213 = vector.broadcast %reduce_max3A_212 : i1 to vector<16xi1>
      %reduce_max3A_214 = tpu.scan <max>, %scan3A_158#6 masked %reduce_max3A_213 : vector<16xf32>, vector<16xi1> -> vector<16xf32>
      %reduce_max3A_215 = vector.extract %reduce_max3A_214[15] : f32 from vector<16xf32>
      %eq3A_216 = arith.constant 6 : i32
      %eq3A_217 = vector.broadcast %eq3A_216 : i32 to vector<16xi32>
      %eq3A_218 = arith.cmpi eq, %iota3A, %eq3A_217 : vector<16xi32>
      %broadcast_in_dim3A_219 = vector.broadcast %reduce_max3A_215 : f32 to vector<16xf32>
      %select_n3A_220 = arith.select %eq3A_218, %broadcast_in_dim3A_219, %select_n3A_211 : vector<16xi1>, vector<16xf32>
      %reduce_max3A_221 = arith.constant true
      %reduce_max3A_222 = vector.broadcast %reduce_max3A_221 : i1 to vector<16xi1>
      %reduce_max3A_223 = tpu.scan <max>, %scan3A_158#7 masked %reduce_max3A_222 : vector<16xf32>, vector<16xi1> -> vector<16xf32>
      %reduce_max3A_224 = vector.extract %reduce_max3A_223[15] : f32 from vector<16xf32>
      %eq3A_225 = arith.constant 7 : i32
      %eq3A_226 = vector.broadcast %eq3A_225 : i32 to vector<16xi32>
      %eq3A_227 = arith.cmpi eq, %iota3A, %eq3A_226 : vector<16xi32>
      %broadcast_in_dim3A_228 = vector.broadcast %reduce_max3A_224 : f32 to vector<16xf32>
      %select_n3A_229 = arith.select %eq3A_227, %broadcast_in_dim3A_228, %select_n3A_220 : vector<16xi1>, vector<16xf32>
      %reduce_max3A_230 = arith.constant true
      %reduce_max3A_231 = vector.broadcast %reduce_max3A_230 : i1 to vector<16xi1>
      %reduce_max3A_232 = tpu.scan <max>, %scan3A_158#8 masked %reduce_max3A_231 : vector<16xf32>, vector<16xi1> -> vector<16xf32>
      %reduce_max3A_233 = vector.extract %reduce_max3A_232[15] : f32 from vector<16xf32>
      %eq3A_234 = arith.constant 8 : i32
      %eq3A_235 = vector.broadcast %eq3A_234 : i32 to vector<16xi32>
      %eq3A_236 = arith.cmpi eq, %iota3A, %eq3A_235 : vector<16xi32>
      %broadcast_in_dim3A_237 = vector.broadcast %reduce_max3A_233 : f32 to vector<16xf32>
      %select_n3A_238 = arith.select %eq3A_236, %broadcast_in_dim3A_237, %select_n3A_229 : vector<16xi1>, vector<16xf32>
      %reduce_max3A_239 = arith.constant true
      %reduce_max3A_240 = vector.broadcast %reduce_max3A_239 : i1 to vector<16xi1>
      %reduce_max3A_241 = tpu.scan <max>, %scan3A_158#9 masked %reduce_max3A_240 : vector<16xf32>, vector<16xi1> -> vector<16xf32>
      %reduce_max3A_242 = vector.extract %reduce_max3A_241[15] : f32 from vector<16xf32>
      %eq3A_243 = arith.constant 9 : i32
      %eq3A_244 = vector.broadcast %eq3A_243 : i32 to vector<16xi32>
      %eq3A_245 = arith.cmpi eq, %iota3A, %eq3A_244 : vector<16xi32>
      %broadcast_in_dim3A_246 = vector.broadcast %reduce_max3A_242 : f32 to vector<16xf32>
      %select_n3A_247 = arith.select %eq3A_245, %broadcast_in_dim3A_246, %select_n3A_238 : vector<16xi1>, vector<16xf32>
      %reduce_max3A_248 = arith.constant true
      %reduce_max3A_249 = vector.broadcast %reduce_max3A_248 : i1 to vector<16xi1>
      %reduce_max3A_250 = tpu.scan <max>, %scan3A_158#10 masked %reduce_max3A_249 : vector<16xf32>, vector<16xi1> -> vector<16xf32>
      %reduce_max3A_251 = vector.extract %reduce_max3A_250[15] : f32 from vector<16xf32>
      %eq3A_252 = arith.constant 10 : i32
      %eq3A_253 = vector.broadcast %eq3A_252 : i32 to vector<16xi32>
      %eq3A_254 = arith.cmpi eq, %iota3A, %eq3A_253 : vector<16xi32>
      %broadcast_in_dim3A_255 = vector.broadcast %reduce_max3A_251 : f32 to vector<16xf32>
      %select_n3A_256 = arith.select %eq3A_254, %broadcast_in_dim3A_255, %select_n3A_247 : vector<16xi1>, vector<16xf32>
      %reduce_max3A_257 = arith.constant true
      %reduce_max3A_258 = vector.broadcast %reduce_max3A_257 : i1 to vector<16xi1>
      %reduce_max3A_259 = tpu.scan <max>, %scan3A_158#11 masked %reduce_max3A_258 : vector<16xf32>, vector<16xi1> -> vector<16xf32>
      %reduce_max3A_260 = vector.extract %reduce_max3A_259[15] : f32 from vector<16xf32>
      %eq3A_261 = arith.constant 11 : i32
      %eq3A_262 = vector.broadcast %eq3A_261 : i32 to vector<16xi32>
      %eq3A_263 = arith.cmpi eq, %iota3A, %eq3A_262 : vector<16xi32>
      %broadcast_in_dim3A_264 = vector.broadcast %reduce_max3A_260 : f32 to vector<16xf32>
      %select_n3A_265 = arith.select %eq3A_263, %broadcast_in_dim3A_264, %select_n3A_256 : vector<16xi1>, vector<16xf32>
      %reduce_max3A_266 = arith.constant true
      %reduce_max3A_267 = vector.broadcast %reduce_max3A_266 : i1 to vector<16xi1>
      %reduce_max3A_268 = tpu.scan <max>, %scan3A_158#12 masked %reduce_max3A_267 : vector<16xf32>, vector<16xi1> -> vector<16xf32>
      %reduce_max3A_269 = vector.extract %reduce_max3A_268[15] : f32 from vector<16xf32>
      %eq3A_270 = arith.constant 12 : i32
      %eq3A_271 = vector.broadcast %eq3A_270 : i32 to vector<16xi32>
      %eq3A_272 = arith.cmpi eq, %iota3A, %eq3A_271 : vector<16xi32>
      %broadcast_in_dim3A_273 = vector.broadcast %reduce_max3A_269 : f32 to vector<16xf32>
      %select_n3A_274 = arith.select %eq3A_272, %broadcast_in_dim3A_273, %select_n3A_265 : vector<16xi1>, vector<16xf32>
      %reduce_max3A_275 = arith.constant true
      %reduce_max3A_276 = vector.broadcast %reduce_max3A_275 : i1 to vector<16xi1>
      %reduce_max3A_277 = tpu.scan <max>, %scan3A_158#13 masked %reduce_max3A_276 : vector<16xf32>, vector<16xi1> -> vector<16xf32>
      %reduce_max3A_278 = vector.extract %reduce_max3A_277[15] : f32 from vector<16xf32>
      %eq3A_279 = arith.constant 13 : i32
      %eq3A_280 = vector.broadcast %eq3A_279 : i32 to vector<16xi32>
      %eq3A_281 = arith.cmpi eq, %iota3A, %eq3A_280 : vector<16xi32>
      %broadcast_in_dim3A_282 = vector.broadcast %reduce_max3A_278 : f32 to vector<16xf32>
      %select_n3A_283 = arith.select %eq3A_281, %broadcast_in_dim3A_282, %select_n3A_274 : vector<16xi1>, vector<16xf32>
      %reduce_max3A_284 = arith.constant true
      %reduce_max3A_285 = vector.broadcast %reduce_max3A_284 : i1 to vector<16xi1>
      %reduce_max3A_286 = tpu.scan <max>, %scan3A_158#14 masked %reduce_max3A_285 : vector<16xf32>, vector<16xi1> -> vector<16xf32>
      %reduce_max3A_287 = vector.extract %reduce_max3A_286[15] : f32 from vector<16xf32>
      %eq3A_288 = arith.constant 14 : i32
      %eq3A_289 = vector.broadcast %eq3A_288 : i32 to vector<16xi32>
      %eq3A_290 = arith.cmpi eq, %iota3A, %eq3A_289 : vector<16xi32>
      %broadcast_in_dim3A_291 = vector.broadcast %reduce_max3A_287 : f32 to vector<16xf32>
      %select_n3A_292 = arith.select %eq3A_290, %broadcast_in_dim3A_291, %select_n3A_283 : vector<16xi1>, vector<16xf32>
      %reduce_max3A_293 = arith.constant true
      %reduce_max3A_294 = vector.broadcast %reduce_max3A_293 : i1 to vector<16xi1>
      %reduce_max3A_295 = tpu.scan <max>, %scan3A_158#15 masked %reduce_max3A_294 : vector<16xf32>, vector<16xi1> -> vector<16xf32>
      %reduce_max3A_296 = vector.extract %reduce_max3A_295[15] : f32 from vector<16xf32>
      %eq3A_297 = arith.constant 15 : i32
      %eq3A_298 = vector.broadcast %eq3A_297 : i32 to vector<16xi32>
      %eq3A_299 = arith.cmpi eq, %iota3A, %eq3A_298 : vector<16xi32>
      %broadcast_in_dim3A_300 = vector.broadcast %reduce_max3A_296 : f32 to vector<16xf32>
      %select_n3A_301 = arith.select %eq3A_299, %broadcast_in_dim3A_300, %select_n3A_292 : vector<16xi1>, vector<16xf32>
      %mul3A_302 = arith.constant 16 : i32
      %mul3A_303 = arith.muli %mul3A_17, %mul3A_302 : i32
      %swap3A = arith.index_cast %mul3A_303 : i32 to index
      %swap3A_304 = tpu.vector_load %arg6[%swap3A] {strides = array<i32>} : memref<512xf32, #tpu.memory_space<vmem>>, vector<16xf32>,
      tpu.vector_store %arg6[%swap3A], %select_n3A_301 {strides = array<i32>} : memref<512xf32, #tpu.memory_space<vmem>>, vector<16xf32>,
      %add3A_305 = arith.constant 1 : i32
      %add3A_306 = arith.addi %mul3A_17, %add3A_305 : i32
      %mul3A_307 = arith.constant 16 : i32
      %mul3A_308 = arith.muli %add3A_306, %mul3A_307 : i32
      %add3A_309 = arith.addi %mul3A_2, %mul3A_308 : i32
      %dma_wait3A_310 = arith.constant 0 : i32
      %dma_wait3A_311 = tpu.memref_slice %arg2[%add3A_309, %dma_wait3A_310] : memref<16384x1024xf32, #tpu.memory_space<hbm>> -> memref<16x1024xf32, #tpu.memory_space<hbm>>
      %dma_wait3A_312 = arith.constant 0 : i32
      %dma_wait3A_313 = tpu.memref_slice %arg2[%add3A_309, %dma_wait3A_312] : memref<16384x1024xf32, #tpu.memory_space<hbm>> -> memref<16x1024xf32, #tpu.memory_space<hbm>>
      tpu.wait_dma2 semaphore(%arg8 : memref<!tpu.dma_semaphore, #tpu.memory_space<semaphore_mem>>) src(%dma_wait3A_313 : memref<16x1024xf32, #tpu.memory_space<hbm>>) dst(%arg5 : memref<16x1024xf32, #tpu.memory_space<vmem>>)
      %add3A_314 = arith.constant 2 : i32
      %add3A_315 = arith.addi %mul3A_17, %add3A_314 : i32
      %lt3A_316 = arith.constant 32 : i32
      %lt3A_317 = arith.cmpi slt, %add3A_315, %lt3A_316 : i32
      %convert_element_type3A_318 = arith.extui %lt3A_317 : i1 to i32
      %cond3A_319 = arith.constant 0 : i32
      %cond3A_320 = arith.cmpi ne, %convert_element_type3A_318, %cond3A_319 : i32
      scf.if %cond3A_320 {
        %add3A_609 = arith.constant 2 : i32
        %add3A_610 = arith.addi %mul3A_17, %add3A_609 : i32
        %mul3A_611 = arith.constant 16 : i32
        %mul3A_612 = arith.muli %add3A_610, %mul3A_611 : i32
        %add3A_613 = arith.addi %mul3A_2, %mul3A_612 : i32
        %dma_start3A_614 = arith.constant 0 : i32
        %dma_start3A_615 = tpu.memref_slice %arg2[%add3A_613, %dma_start3A_614] : memref<16384x1024xf32, #tpu.memory_space<hbm>> -> memref<16x1024xf32, #tpu.memory_space<hbm>>
        %dma_start3A_616 = arith.constant 0 : i32
        %dma_start3A_617 = tpu.memref_slice %arg2[%add3A_613, %dma_start3A_616] : memref<16384x1024xf32, #tpu.memory_space<hbm>> -> memref<16x1024xf32, #tpu.memory_space<hbm>>
        tpu.enqueue_dma source(%dma_start3A_617 : memref<16x1024xf32, #tpu.memory_space<hbm>>) target(%arg4 : memref<16x1024xf32, #tpu.memory_space<vmem>>) target_semaphore(%arg7 : memref<!tpu.dma_semaphore, #tpu.memory_space<semaphore_mem>>)
      } else {
      }
      %add3A_321 = arith.constant 1 : i32
      %add3A_322 = arith.addi %mul3A_17, %add3A_321 : i32
      %get3A_323 = arith.constant 0 : i32
      %get3A_324 = arith.index_cast %get3A_323 : i32 to index
      %get3A_325 = arith.constant 0 : index
      %get3A_326 = tpu.vector_load %arg5[%get3A_324, %get3A_325] {strides = array<i32>} : memref<16x1024xf32, #tpu.memory_space<vmem>>, vector<16xf32>,
      %masked_sort3A_327 = arith.constant dense<true> : vector<16xi1>
      %masked_sort3A_328, %masked_sort3A_329, %masked_sort3A_330 = tpu.sort %get3A_326, %get3A_326 masked %masked_sort3A_327 : (vector<16xf32>, vector<16xf32>, vector<16xi1>) -> (vector<16xi1>, vector<16xf32>, vector<16xf32>)
      %get3A_331 = arith.constant 1 : i32
      %get3A_332 = arith.index_cast %get3A_331 : i32 to index
      %get3A_333 = arith.constant 0 : index
      %get3A_334 = tpu.vector_load %arg5[%get3A_332, %get3A_333] {strides = array<i32>} : memref<16x1024xf32, #tpu.memory_space<vmem>>, vector<16xf32>,
      %masked_sort3A_335 = arith.constant dense<true> : vector<16xi1>
      %masked_sort3A_336, %masked_sort3A_337, %masked_sort3A_338 = tpu.sort %get3A_334, %get3A_334 masked %masked_sort3A_335 : (vector<16xf32>, vector<16xf32>, vector<16xi1>) -> (vector<16xi1>, vector<16xf32>, vector<16xf32>)
      %get3A_339 = arith.constant 2 : i32
      %get3A_340 = arith.index_cast %get3A_339 : i32 to index
      %get3A_341 = arith.constant 0 : index
      %get3A_342 = tpu.vector_load %arg5[%get3A_340, %get3A_341] {strides = array<i32>} : memref<16x1024xf32, #tpu.memory_space<vmem>>, vector<16xf32>,
      %masked_sort3A_343 = arith.constant dense<true> : vector<16xi1>
      %masked_sort3A_344, %masked_sort3A_345, %masked_sort3A_346 = tpu.sort %get3A_342, %get3A_342 masked %masked_sort3A_343 : (vector<16xf32>, vector<16xf32>, vector<16xi1>) -> (vector<16xi1>, vector<16xf32>, vector<16xf32>)
      %get3A_347 = arith.constant 3 : i32
      %get3A_348 = arith.index_cast %get3A_347 : i32 to index
      %get3A_349 = arith.constant 0 : index
      %get3A_350 = tpu.vector_load %arg5[%get3A_348, %get3A_349] {strides = array<i32>} : memref<16x1024xf32, #tpu.memory_space<vmem>>, vector<16xf32>,
      %masked_sort3A_351 = arith.constant dense<true> : vector<16xi1>
      %masked_sort3A_352, %masked_sort3A_353, %masked_sort3A_354 = tpu.sort %get3A_350, %get3A_350 masked %masked_sort3A_351 : (vector<16xf32>, vector<16xf32>, vector<16xi1>) -> (vector<16xi1>, vector<16xf32>, vector<16xf32>)
      %get3A_355 = arith.constant 4 : i32
      %get3A_356 = arith.index_cast %get3A_355 : i32 to index
      %get3A_357 = arith.constant 0 : index
      %get3A_358 = tpu.vector_load %arg5[%get3A_356, %get3A_357] {strides = array<i32>} : memref<16x1024xf32, #tpu.memory_space<vmem>>, vector<16xf32>,
      %masked_sort3A_359 = arith.constant dense<true> : vector<16xi1>
      %masked_sort3A_360, %masked_sort3A_361, %masked_sort3A_362 = tpu.sort %get3A_358, %get3A_358 masked %masked_sort3A_359 : (vector<16xf32>, vector<16xf32>, vector<16xi1>) -> (vector<16xi1>, vector<16xf32>, vector<16xf32>)
      %get3A_363 = arith.constant 5 : i32
      %get3A_364 = arith.index_cast %get3A_363 : i32 to index
      %get3A_365 = arith.constant 0 : index
      %get3A_366 = tpu.vector_load %arg5[%get3A_364, %get3A_365] {strides = array<i32>} : memref<16x1024xf32, #tpu.memory_space<vmem>>, vector<16xf32>,
      %masked_sort3A_367 = arith.constant dense<true> : vector<16xi1>
      %masked_sort3A_368, %masked_sort3A_369, %masked_sort3A_370 = tpu.sort %get3A_366, %get3A_366 masked %masked_sort3A_367 : (vector<16xf32>, vector<16xf32>, vector<16xi1>) -> (vector<16xi1>, vector<16xf32>, vector<16xf32>)
      %get3A_371 = arith.constant 6 : i32
      %get3A_372 = arith.index_cast %get3A_371 : i32 to index
      %get3A_373 = arith.constant 0 : index
      %get3A_374 = tpu.vector_load %arg5[%get3A_372, %get3A_373] {strides = array<i32>} : memref<16x1024xf32, #tpu.memory_space<vmem>>, vector<16xf32>,
      %masked_sort3A_375 = arith.constant dense<true> : vector<16xi1>
      %masked_sort3A_376, %masked_sort3A_377, %masked_sort3A_378 = tpu.sort %get3A_374, %get3A_374 masked %masked_sort3A_375 : (vector<16xf32>, vector<16xf32>, vector<16xi1>) -> (vector<16xi1>, vector<16xf32>, vector<16xf32>)
      %get3A_379 = arith.constant 7 : i32
      %get3A_380 = arith.index_cast %get3A_379 : i32 to index
      %get3A_381 = arith.constant 0 : index
      %get3A_382 = tpu.vector_load %arg5[%get3A_380, %get3A_381] {strides = array<i32>} : memref<16x1024xf32, #tpu.memory_space<vmem>>, vector<16xf32>,
      %masked_sort3A_383 = arith.constant dense<true> : vector<16xi1>
      %masked_sort3A_384, %masked_sort3A_385, %masked_sort3A_386 = tpu.sort %get3A_382, %get3A_382 masked %masked_sort3A_383 : (vector<16xf32>, vector<16xf32>, vector<16xi1>) -> (vector<16xi1>, vector<16xf32>, vector<16xf32>)
      %get3A_387 = arith.constant 8 : i32
      %get3A_388 = arith.index_cast %get3A_387 : i32 to index
      %get3A_389 = arith.constant 0 : index
      %get3A_390 = tpu.vector_load %arg5[%get3A_388, %get3A_389] {strides = array<i32>} : memref<16x1024xf32, #tpu.memory_space<vmem>>, vector<16xf32>,
      %masked_sort3A_391 = arith.constant dense<true> : vector<16xi1>
      %masked_sort3A_392, %masked_sort3A_393, %masked_sort3A_394 = tpu.sort %get3A_390, %get3A_390 masked %masked_sort3A_391 : (vector<16xf32>, vector<16xf32>, vector<16xi1>) -> (vector<16xi1>, vector<16xf32>, vector<16xf32>)
      %get3A_395 = arith.constant 9 : i32
      %get3A_396 = arith.index_cast %get3A_395 : i32 to index
      %get3A_397 = arith.constant 0 : index
      %get3A_398 = tpu.vector_load %arg5[%get3A_396, %get3A_397] {strides = array<i32>} : memref<16x1024xf32, #tpu.memory_space<vmem>>, vector<16xf32>,
      %masked_sort3A_399 = arith.constant dense<true> : vector<16xi1>
      %masked_sort3A_400, %masked_sort3A_401, %masked_sort3A_402 = tpu.sort %get3A_398, %get3A_398 masked %masked_sort3A_399 : (vector<16xf32>, vector<16xf32>, vector<16xi1>) -> (vector<16xi1>, vector<16xf32>, vector<16xf32>)
      %get3A_403 = arith.constant 10 : i32
      %get3A_404 = arith.index_cast %get3A_403 : i32 to index
      %get3A_405 = arith.constant 0 : index
      %get3A_406 = tpu.vector_load %arg5[%get3A_404, %get3A_405] {strides = array<i32>} : memref<16x1024xf32, #tpu.memory_space<vmem>>, vector<16xf32>,
      %masked_sort3A_407 = arith.constant dense<true> : vector<16xi1>
      %masked_sort3A_408, %masked_sort3A_409, %masked_sort3A_410 = tpu.sort %get3A_406, %get3A_406 masked %masked_sort3A_407 : (vector<16xf32>, vector<16xf32>, vector<16xi1>) -> (vector<16xi1>, vector<16xf32>, vector<16xf32>)
      %get3A_411 = arith.constant 11 : i32
      %get3A_412 = arith.index_cast %get3A_411 : i32 to index
      %get3A_413 = arith.constant 0 : index
      %get3A_414 = tpu.vector_load %arg5[%get3A_412, %get3A_413] {strides = array<i32>} : memref<16x1024xf32, #tpu.memory_space<vmem>>, vector<16xf32>,
      %masked_sort3A_415 = arith.constant dense<true> : vector<16xi1>
      %masked_sort3A_416, %masked_sort3A_417, %masked_sort3A_418 = tpu.sort %get3A_414, %get3A_414 masked %masked_sort3A_415 : (vector<16xf32>, vector<16xf32>, vector<16xi1>) -> (vector<16xi1>, vector<16xf32>, vector<16xf32>)
      %get3A_419 = arith.constant 12 : i32
      %get3A_420 = arith.index_cast %get3A_419 : i32 to index
      %get3A_421 = arith.constant 0 : index
      %get3A_422 = tpu.vector_load %arg5[%get3A_420, %get3A_421] {strides = array<i32>} : memref<16x1024xf32, #tpu.memory_space<vmem>>, vector<16xf32>,
      %masked_sort3A_423 = arith.constant dense<true> : vector<16xi1>
      %masked_sort3A_424, %masked_sort3A_425, %masked_sort3A_426 = tpu.sort %get3A_422, %get3A_422 masked %masked_sort3A_423 : (vector<16xf32>, vector<16xf32>, vector<16xi1>) -> (vector<16xi1>, vector<16xf32>, vector<16xf32>)
      %get3A_427 = arith.constant 13 : i32
      %get3A_428 = arith.index_cast %get3A_427 : i32 to index
      %get3A_429 = arith.constant 0 : index
      %get3A_430 = tpu.vector_load %arg5[%get3A_428, %get3A_429] {strides = array<i32>} : memref<16x1024xf32, #tpu.memory_space<vmem>>, vector<16xf32>,
      %masked_sort3A_431 = arith.constant dense<true> : vector<16xi1>
      %masked_sort3A_432, %masked_sort3A_433, %masked_sort3A_434 = tpu.sort %get3A_430, %get3A_430 masked %masked_sort3A_431 : (vector<16xf32>, vector<16xf32>, vector<16xi1>) -> (vector<16xi1>, vector<16xf32>, vector<16xf32>)
      %get3A_435 = arith.constant 14 : i32
      %get3A_436 = arith.index_cast %get3A_435 : i32 to index
      %get3A_437 = arith.constant 0 : index
      %get3A_438 = tpu.vector_load %arg5[%get3A_436, %get3A_437] {strides = array<i32>} : memref<16x1024xf32, #tpu.memory_space<vmem>>, vector<16xf32>,
      %masked_sort3A_439 = arith.constant dense<true> : vector<16xi1>
      %masked_sort3A_440, %masked_sort3A_441, %masked_sort3A_442 = tpu.sort %get3A_438, %get3A_438 masked %masked_sort3A_439 : (vector<16xf32>, vector<16xf32>, vector<16xi1>) -> (vector<16xi1>, vector<16xf32>, vector<16xf32>)
      %get3A_443 = arith.constant 15 : i32
      %get3A_444 = arith.index_cast %get3A_443 : i32 to index
      %get3A_445 = arith.constant 0 : index
      %get3A_446 = tpu.vector_load %arg5[%get3A_444, %get3A_445] {strides = array<i32>} : memref<16x1024xf32, #tpu.memory_space<vmem>>, vector<16xf32>,
      %masked_sort3A_447 = arith.constant dense<true> : vector<16xi1>
      %masked_sort3A_448, %masked_sort3A_449, %masked_sort3A_450 = tpu.sort %get3A_446, %get3A_446 masked %masked_sort3A_447 : (vector<16xf32>, vector<16xf32>, vector<16xi1>) -> (vector<16xi1>, vector<16xf32>, vector<16xf32>)
      %scan3A_451 = arith.constant 1 : i32
      %scan3A_452 = arith.constant 63 : i32
      %scan3A_453 = arith.addi %scan3A_451, %scan3A_452 : i32
      %scan3A_454 = arith.constant 1 : i32
      %scan3A_455:16 = scf.for %scan3A_609 = %scan3A_451 to %scan3A_453 step %scan3A_454 iter_args(%scan3A_610 = %masked_sort3A_329, %scan3A_611 = %masked_sort3A_337, %scan3A_612 = %masked_sort3A_345, %scan3A_613 = %masked_sort3A_353, %scan3A_614 = %masked_sort3A_361, %scan3A_615 = %masked_sort3A_369, %scan3A_616 = %masked_sort3A_377, %scan3A_617 = %masked_sort3A_385, %scan3A_618 = %masked_sort3A_393, %scan3A_619 = %masked_sort3A_401, %scan3A_620 = %masked_sort3A_409, %scan3A_621 = %masked_sort3A_417, %scan3A_622 = %masked_sort3A_425, %scan3A_623 = %masked_sort3A_433, %scan3A_624 = %masked_sort3A_441, %scan3A_625 = %masked_sort3A_449) -> (vector<16xf32>, vector<16xf32>, vector<16xf32>, vector<16xf32>, vector<16xf32>, vector<16xf32>, vector<16xf32>, vector<16xf32>, vector<16xf32>, vector<16xf32>, vector<16xf32>, vector<16xf32>, vector<16xf32>, vector<16xf32>, vector<16xf32>, vector<16xf32>)  : i32 {
        %mul3A_626 = arith.constant 16 : i32
        %mul3A_627 = arith.muli %scan3A_609, %mul3A_626 : i32
        %get3A_628 = arith.constant 0 : i32
        %get3A_629 = arith.index_cast %get3A_628 : i32 to index
        %get3A_630 = arith.index_cast %mul3A_627 : i32 to index
        %get3A_631 = tpu.vector_load %arg5[%get3A_629, %get3A_630] {strides = array<i32>} : memref<16x1024xf32, #tpu.memory_space<vmem>>, vector<16xf32>,
        %masked_sort3A_632 = arith.constant dense<true> : vector<16xi1>
        %masked_sort3A_633, %masked_sort3A_634, %masked_sort3A_635 = tpu.sort %get3A_631, %get3A_631 masked %masked_sort3A_632 {descending = true} : (vector<16xf32>, vector<16xf32>, vector<16xi1>) -> (vector<16xi1>, vector<16xf32>, vector<16xf32>)
        %min3A = arith.minimumf %scan3A_610, %masked_sort3A_634 : vector<16xf32>
        %masked_sort3A_636 = arith.constant dense<true> : vector<16xi1>
        %masked_sort3A_637, %masked_sort3A_638, %masked_sort3A_639 = tpu.sort %min3A, %min3A masked %masked_sort3A_636 : (vector<16xf32>, vector<16xf32>, vector<16xi1>) -> (vector<16xi1>, vector<16xf32>, vector<16xf32>)
        %mul3A_640 = arith.constant 16 : i32
        %mul3A_641 = arith.muli %scan3A_609, %mul3A_640 : i32
        %get3A_642 = arith.constant 1 : i32
        %get3A_643 = arith.index_cast %get3A_642 : i32 to index
        %get3A_644 = arith.index_cast %mul3A_641 : i32 to index
        %get3A_645 = tpu.vector_load %arg5[%get3A_643, %get3A_644] {strides = array<i32>} : memref<16x1024xf32, #tpu.memory_space<vmem>>, vector<16xf32>,
        %masked_sort3A_646 = arith.constant dense<true> : vector<16xi1>
        %masked_sort3A_647, %masked_sort3A_648, %masked_sort3A_649 = tpu.sort %get3A_645, %get3A_645 masked %masked_sort3A_646 {descending = true} : (vector<16xf32>, vector<16xf32>, vector<16xi1>) -> (vector<16xi1>, vector<16xf32>, vector<16xf32>)
        %min3A_650 = arith.minimumf %scan3A_611, %masked_sort3A_648 : vector<16xf32>
        %masked_sort3A_651 = arith.constant dense<true> : vector<16xi1>
        %masked_sort3A_652, %masked_sort3A_653, %masked_sort3A_654 = tpu.sort %min3A_650, %min3A_650 masked %masked_sort3A_651 : (vector<16xf32>, vector<16xf32>, vector<16xi1>) -> (vector<16xi1>, vector<16xf32>, vector<16xf32>)
        %mul3A_655 = arith.constant 16 : i32
        %mul3A_656 = arith.muli %scan3A_609, %mul3A_655 : i32
        %get3A_657 = arith.constant 2 : i32
        %get3A_658 = arith.index_cast %get3A_657 : i32 to index
        %get3A_659 = arith.index_cast %mul3A_656 : i32 to index
        %get3A_660 = tpu.vector_load %arg5[%get3A_658, %get3A_659] {strides = array<i32>} : memref<16x1024xf32, #tpu.memory_space<vmem>>, vector<16xf32>,
        %masked_sort3A_661 = arith.constant dense<true> : vector<16xi1>
        %masked_sort3A_662, %masked_sort3A_663, %masked_sort3A_664 = tpu.sort %get3A_660, %get3A_660 masked %masked_sort3A_661 {descending = true} : (vector<16xf32>, vector<16xf32>, vector<16xi1>) -> (vector<16xi1>, vector<16xf32>, vector<16xf32>)
        %min3A_665 = arith.minimumf %scan3A_612, %masked_sort3A_663 : vector<16xf32>
        %masked_sort3A_666 = arith.constant dense<true> : vector<16xi1>
        %masked_sort3A_667, %masked_sort3A_668, %masked_sort3A_669 = tpu.sort %min3A_665, %min3A_665 masked %masked_sort3A_666 : (vector<16xf32>, vector<16xf32>, vector<16xi1>) -> (vector<16xi1>, vector<16xf32>, vector<16xf32>)
        %mul3A_670 = arith.constant 16 : i32
        %mul3A_671 = arith.muli %scan3A_609, %mul3A_670 : i32
        %get3A_672 = arith.constant 3 : i32
        %get3A_673 = arith.index_cast %get3A_672 : i32 to index
        %get3A_674 = arith.index_cast %mul3A_671 : i32 to index
        %get3A_675 = tpu.vector_load %arg5[%get3A_673, %get3A_674] {strides = array<i32>} : memref<16x1024xf32, #tpu.memory_space<vmem>>, vector<16xf32>,
        %masked_sort3A_676 = arith.constant dense<true> : vector<16xi1>
        %masked_sort3A_677, %masked_sort3A_678, %masked_sort3A_679 = tpu.sort %get3A_675, %get3A_675 masked %masked_sort3A_676 {descending = true} : (vector<16xf32>, vector<16xf32>, vector<16xi1>) -> (vector<16xi1>, vector<16xf32>, vector<16xf32>)
        %min3A_680 = arith.minimumf %scan3A_613, %masked_sort3A_678 : vector<16xf32>
        %masked_sort3A_681 = arith.constant dense<true> : vector<16xi1>
        %masked_sort3A_682, %masked_sort3A_683, %masked_sort3A_684 = tpu.sort %min3A_680, %min3A_680 masked %masked_sort3A_681 : (vector<16xf32>, vector<16xf32>, vector<16xi1>) -> (vector<16xi1>, vector<16xf32>, vector<16xf32>)
        %mul3A_685 = arith.constant 16 : i32
        %mul3A_686 = arith.muli %scan3A_609, %mul3A_685 : i32
        %get3A_687 = arith.constant 4 : i32
        %get3A_688 = arith.index_cast %get3A_687 : i32 to index
        %get3A_689 = arith.index_cast %mul3A_686 : i32 to index
        %get3A_690 = tpu.vector_load %arg5[%get3A_688, %get3A_689] {strides = array<i32>} : memref<16x1024xf32, #tpu.memory_space<vmem>>, vector<16xf32>,
        %masked_sort3A_691 = arith.constant dense<true> : vector<16xi1>
        %masked_sort3A_692, %masked_sort3A_693, %masked_sort3A_694 = tpu.sort %get3A_690, %get3A_690 masked %masked_sort3A_691 {descending = true} : (vector<16xf32>, vector<16xf32>, vector<16xi1>) -> (vector<16xi1>, vector<16xf32>, vector<16xf32>)
        %min3A_695 = arith.minimumf %scan3A_614, %masked_sort3A_693 : vector<16xf32>
        %masked_sort3A_696 = arith.constant dense<true> : vector<16xi1>
        %masked_sort3A_697, %masked_sort3A_698, %masked_sort3A_699 = tpu.sort %min3A_695, %min3A_695 masked %masked_sort3A_696 : (vector<16xf32>, vector<16xf32>, vector<16xi1>) -> (vector<16xi1>, vector<16xf32>, vector<16xf32>)
        %mul3A_700 = arith.constant 16 : i32
        %mul3A_701 = arith.muli %scan3A_609, %mul3A_700 : i32
        %get3A_702 = arith.constant 5 : i32
        %get3A_703 = arith.index_cast %get3A_702 : i32 to index
        %get3A_704 = arith.index_cast %mul3A_701 : i32 to index
        %get3A_705 = tpu.vector_load %arg5[%get3A_703, %get3A_704] {strides = array<i32>} : memref<16x1024xf32, #tpu.memory_space<vmem>>, vector<16xf32>,
        %masked_sort3A_706 = arith.constant dense<true> : vector<16xi1>
        %masked_sort3A_707, %masked_sort3A_708, %masked_sort3A_709 = tpu.sort %get3A_705, %get3A_705 masked %masked_sort3A_706 {descending = true} : (vector<16xf32>, vector<16xf32>, vector<16xi1>) -> (vector<16xi1>, vector<16xf32>, vector<16xf32>)
        %min3A_710 = arith.minimumf %scan3A_615, %masked_sort3A_708 : vector<16xf32>
        %masked_sort3A_711 = arith.constant dense<true> : vector<16xi1>
        %masked_sort3A_712, %masked_sort3A_713, %masked_sort3A_714 = tpu.sort %min3A_710, %min3A_710 masked %masked_sort3A_711 : (vector<16xf32>, vector<16xf32>, vector<16xi1>) -> (vector<16xi1>, vector<16xf32>, vector<16xf32>)
        %mul3A_715 = arith.constant 16 : i32
        %mul3A_716 = arith.muli %scan3A_609, %mul3A_715 : i32
        %get3A_717 = arith.constant 6 : i32
        %get3A_718 = arith.index_cast %get3A_717 : i32 to index
        %get3A_719 = arith.index_cast %mul3A_716 : i32 to index
        %get3A_720 = tpu.vector_load %arg5[%get3A_718, %get3A_719] {strides = array<i32>} : memref<16x1024xf32, #tpu.memory_space<vmem>>, vector<16xf32>,
        %masked_sort3A_721 = arith.constant dense<true> : vector<16xi1>
        %masked_sort3A_722, %masked_sort3A_723, %masked_sort3A_724 = tpu.sort %get3A_720, %get3A_720 masked %masked_sort3A_721 {descending = true} : (vector<16xf32>, vector<16xf32>, vector<16xi1>) -> (vector<16xi1>, vector<16xf32>, vector<16xf32>)
        %min3A_725 = arith.minimumf %scan3A_616, %masked_sort3A_723 : vector<16xf32>
        %masked_sort3A_726 = arith.constant dense<true> : vector<16xi1>
        %masked_sort3A_727, %masked_sort3A_728, %masked_sort3A_729 = tpu.sort %min3A_725, %min3A_725 masked %masked_sort3A_726 : (vector<16xf32>, vector<16xf32>, vector<16xi1>) -> (vector<16xi1>, vector<16xf32>, vector<16xf32>)
        %mul3A_730 = arith.constant 16 : i32
        %mul3A_731 = arith.muli %scan3A_609, %mul3A_730 : i32
        %get3A_732 = arith.constant 7 : i32
        %get3A_733 = arith.index_cast %get3A_732 : i32 to index
        %get3A_734 = arith.index_cast %mul3A_731 : i32 to index
        %get3A_735 = tpu.vector_load %arg5[%get3A_733, %get3A_734] {strides = array<i32>} : memref<16x1024xf32, #tpu.memory_space<vmem>>, vector<16xf32>,
        %masked_sort3A_736 = arith.constant dense<true> : vector<16xi1>
        %masked_sort3A_737, %masked_sort3A_738, %masked_sort3A_739 = tpu.sort %get3A_735, %get3A_735 masked %masked_sort3A_736 {descending = true} : (vector<16xf32>, vector<16xf32>, vector<16xi1>) -> (vector<16xi1>, vector<16xf32>, vector<16xf32>)
        %min3A_740 = arith.minimumf %scan3A_617, %masked_sort3A_738 : vector<16xf32>
        %masked_sort3A_741 = arith.constant dense<true> : vector<16xi1>
        %masked_sort3A_742, %masked_sort3A_743, %masked_sort3A_744 = tpu.sort %min3A_740, %min3A_740 masked %masked_sort3A_741 : (vector<16xf32>, vector<16xf32>, vector<16xi1>) -> (vector<16xi1>, vector<16xf32>, vector<16xf32>)
        %mul3A_745 = arith.constant 16 : i32
        %mul3A_746 = arith.muli %scan3A_609, %mul3A_745 : i32
        %get3A_747 = arith.constant 8 : i32
        %get3A_748 = arith.index_cast %get3A_747 : i32 to index
        %get3A_749 = arith.index_cast %mul3A_746 : i32 to index
        %get3A_750 = tpu.vector_load %arg5[%get3A_748, %get3A_749] {strides = array<i32>} : memref<16x1024xf32, #tpu.memory_space<vmem>>, vector<16xf32>,
        %masked_sort3A_751 = arith.constant dense<true> : vector<16xi1>
        %masked_sort3A_752, %masked_sort3A_753, %masked_sort3A_754 = tpu.sort %get3A_750, %get3A_750 masked %masked_sort3A_751 {descending = true} : (vector<16xf32>, vector<16xf32>, vector<16xi1>) -> (vector<16xi1>, vector<16xf32>, vector<16xf32>)
        %min3A_755 = arith.minimumf %scan3A_618, %masked_sort3A_753 : vector<16xf32>
        %masked_sort3A_756 = arith.constant dense<true> : vector<16xi1>
        %masked_sort3A_757, %masked_sort3A_758, %masked_sort3A_759 = tpu.sort %min3A_755, %min3A_755 masked %masked_sort3A_756 : (vector<16xf32>, vector<16xf32>, vector<16xi1>) -> (vector<16xi1>, vector<16xf32>, vector<16xf32>)
        %mul3A_760 = arith.constant 16 : i32
        %mul3A_761 = arith.muli %scan3A_609, %mul3A_760 : i32
        %get3A_762 = arith.constant 9 : i32
        %get3A_763 = arith.index_cast %get3A_762 : i32 to index
        %get3A_764 = arith.index_cast %mul3A_761 : i32 to index
        %get3A_765 = tpu.vector_load %arg5[%get3A_763, %get3A_764] {strides = array<i32>} : memref<16x1024xf32, #tpu.memory_space<vmem>>, vector<16xf32>,
        %masked_sort3A_766 = arith.constant dense<true> : vector<16xi1>
        %masked_sort3A_767, %masked_sort3A_768, %masked_sort3A_769 = tpu.sort %get3A_765, %get3A_765 masked %masked_sort3A_766 {descending = true} : (vector<16xf32>, vector<16xf32>, vector<16xi1>) -> (vector<16xi1>, vector<16xf32>, vector<16xf32>)
        %min3A_770 = arith.minimumf %scan3A_619, %masked_sort3A_768 : vector<16xf32>
        %masked_sort3A_771 = arith.constant dense<true> : vector<16xi1>
        %masked_sort3A_772, %masked_sort3A_773, %masked_sort3A_774 = tpu.sort %min3A_770, %min3A_770 masked %masked_sort3A_771 : (vector<16xf32>, vector<16xf32>, vector<16xi1>) -> (vector<16xi1>, vector<16xf32>, vector<16xf32>)
        %mul3A_775 = arith.constant 16 : i32
        %mul3A_776 = arith.muli %scan3A_609, %mul3A_775 : i32
        %get3A_777 = arith.constant 10 : i32
        %get3A_778 = arith.index_cast %get3A_777 : i32 to index
        %get3A_779 = arith.index_cast %mul3A_776 : i32 to index
        %get3A_780 = tpu.vector_load %arg5[%get3A_778, %get3A_779] {strides = array<i32>} : memref<16x1024xf32, #tpu.memory_space<vmem>>, vector<16xf32>,
        %masked_sort3A_781 = arith.constant dense<true> : vector<16xi1>
        %masked_sort3A_782, %masked_sort3A_783, %masked_sort3A_784 = tpu.sort %get3A_780, %get3A_780 masked %masked_sort3A_781 {descending = true} : (vector<16xf32>, vector<16xf32>, vector<16xi1>) -> (vector<16xi1>, vector<16xf32>, vector<16xf32>)
        %min3A_785 = arith.minimumf %scan3A_620, %masked_sort3A_783 : vector<16xf32>
        %masked_sort3A_786 = arith.constant dense<true> : vector<16xi1>
        %masked_sort3A_787, %masked_sort3A_788, %masked_sort3A_789 = tpu.sort %min3A_785, %min3A_785 masked %masked_sort3A_786 : (vector<16xf32>, vector<16xf32>, vector<16xi1>) -> (vector<16xi1>, vector<16xf32>, vector<16xf32>)
        %mul3A_790 = arith.constant 16 : i32
        %mul3A_791 = arith.muli %scan3A_609, %mul3A_790 : i32
        %get3A_792 = arith.constant 11 : i32
        %get3A_793 = arith.index_cast %get3A_792 : i32 to index
        %get3A_794 = arith.index_cast %mul3A_791 : i32 to index
        %get3A_795 = tpu.vector_load %arg5[%get3A_793, %get3A_794] {strides = array<i32>} : memref<16x1024xf32, #tpu.memory_space<vmem>>, vector<16xf32>,
        %masked_sort3A_796 = arith.constant dense<true> : vector<16xi1>
        %masked_sort3A_797, %masked_sort3A_798, %masked_sort3A_799 = tpu.sort %get3A_795, %get3A_795 masked %masked_sort3A_796 {descending = true} : (vector<16xf32>, vector<16xf32>, vector<16xi1>) -> (vector<16xi1>, vector<16xf32>, vector<16xf32>)
        %min3A_800 = arith.minimumf %scan3A_621, %masked_sort3A_798 : vector<16xf32>
        %masked_sort3A_801 = arith.constant dense<true> : vector<16xi1>
        %masked_sort3A_802, %masked_sort3A_803, %masked_sort3A_804 = tpu.sort %min3A_800, %min3A_800 masked %masked_sort3A_801 : (vector<16xf32>, vector<16xf32>, vector<16xi1>) -> (vector<16xi1>, vector<16xf32>, vector<16xf32>)
        %mul3A_805 = arith.constant 16 : i32
        %mul3A_806 = arith.muli %scan3A_609, %mul3A_805 : i32
        %get3A_807 = arith.constant 12 : i32
        %get3A_808 = arith.index_cast %get3A_807 : i32 to index
        %get3A_809 = arith.index_cast %mul3A_806 : i32 to index
        %get3A_810 = tpu.vector_load %arg5[%get3A_808, %get3A_809] {strides = array<i32>} : memref<16x1024xf32, #tpu.memory_space<vmem>>, vector<16xf32>,
        %masked_sort3A_811 = arith.constant dense<true> : vector<16xi1>
        %masked_sort3A_812, %masked_sort3A_813, %masked_sort3A_814 = tpu.sort %get3A_810, %get3A_810 masked %masked_sort3A_811 {descending = true} : (vector<16xf32>, vector<16xf32>, vector<16xi1>) -> (vector<16xi1>, vector<16xf32>, vector<16xf32>)
        %min3A_815 = arith.minimumf %scan3A_622, %masked_sort3A_813 : vector<16xf32>
        %masked_sort3A_816 = arith.constant dense<true> : vector<16xi1>
        %masked_sort3A_817, %masked_sort3A_818, %masked_sort3A_819 = tpu.sort %min3A_815, %min3A_815 masked %masked_sort3A_816 : (vector<16xf32>, vector<16xf32>, vector<16xi1>) -> (vector<16xi1>, vector<16xf32>, vector<16xf32>)
        %mul3A_820 = arith.constant 16 : i32
        %mul3A_821 = arith.muli %scan3A_609, %mul3A_820 : i32
        %get3A_822 = arith.constant 13 : i32
        %get3A_823 = arith.index_cast %get3A_822 : i32 to index
        %get3A_824 = arith.index_cast %mul3A_821 : i32 to index
        %get3A_825 = tpu.vector_load %arg5[%get3A_823, %get3A_824] {strides = array<i32>} : memref<16x1024xf32, #tpu.memory_space<vmem>>, vector<16xf32>,
        %masked_sort3A_826 = arith.constant dense<true> : vector<16xi1>
        %masked_sort3A_827, %masked_sort3A_828, %masked_sort3A_829 = tpu.sort %get3A_825, %get3A_825 masked %masked_sort3A_826 {descending = true} : (vector<16xf32>, vector<16xf32>, vector<16xi1>) -> (vector<16xi1>, vector<16xf32>, vector<16xf32>)
        %min3A_830 = arith.minimumf %scan3A_623, %masked_sort3A_828 : vector<16xf32>
        %masked_sort3A_831 = arith.constant dense<true> : vector<16xi1>
        %masked_sort3A_832, %masked_sort3A_833, %masked_sort3A_834 = tpu.sort %min3A_830, %min3A_830 masked %masked_sort3A_831 : (vector<16xf32>, vector<16xf32>, vector<16xi1>) -> (vector<16xi1>, vector<16xf32>, vector<16xf32>)
        %mul3A_835 = arith.constant 16 : i32
        %mul3A_836 = arith.muli %scan3A_609, %mul3A_835 : i32
        %get3A_837 = arith.constant 14 : i32
        %get3A_838 = arith.index_cast %get3A_837 : i32 to index
        %get3A_839 = arith.index_cast %mul3A_836 : i32 to index
        %get3A_840 = tpu.vector_load %arg5[%get3A_838, %get3A_839] {strides = array<i32>} : memref<16x1024xf32, #tpu.memory_space<vmem>>, vector<16xf32>,
        %masked_sort3A_841 = arith.constant dense<true> : vector<16xi1>
        %masked_sort3A_842, %masked_sort3A_843, %masked_sort3A_844 = tpu.sort %get3A_840, %get3A_840 masked %masked_sort3A_841 {descending = true} : (vector<16xf32>, vector<16xf32>, vector<16xi1>) -> (vector<16xi1>, vector<16xf32>, vector<16xf32>)
        %min3A_845 = arith.minimumf %scan3A_624, %masked_sort3A_843 : vector<16xf32>
        %masked_sort3A_846 = arith.constant dense<true> : vector<16xi1>
        %masked_sort3A_847, %masked_sort3A_848, %masked_sort3A_849 = tpu.sort %min3A_845, %min3A_845 masked %masked_sort3A_846 : (vector<16xf32>, vector<16xf32>, vector<16xi1>) -> (vector<16xi1>, vector<16xf32>, vector<16xf32>)
        %mul3A_850 = arith.constant 16 : i32
        %mul3A_851 = arith.muli %scan3A_609, %mul3A_850 : i32
        %get3A_852 = arith.constant 15 : i32
        %get3A_853 = arith.index_cast %get3A_852 : i32 to index
        %get3A_854 = arith.index_cast %mul3A_851 : i32 to index
        %get3A_855 = tpu.vector_load %arg5[%get3A_853, %get3A_854] {strides = array<i32>} : memref<16x1024xf32, #tpu.memory_space<vmem>>, vector<16xf32>,
        %masked_sort3A_856 = arith.constant dense<true> : vector<16xi1>
        %masked_sort3A_857, %masked_sort3A_858, %masked_sort3A_859 = tpu.sort %get3A_855, %get3A_855 masked %masked_sort3A_856 {descending = true} : (vector<16xf32>, vector<16xf32>, vector<16xi1>) -> (vector<16xi1>, vector<16xf32>, vector<16xf32>)
        %min3A_860 = arith.minimumf %scan3A_625, %masked_sort3A_858 : vector<16xf32>
        %masked_sort3A_861 = arith.constant dense<true> : vector<16xi1>
        %masked_sort3A_862, %masked_sort3A_863, %masked_sort3A_864 = tpu.sort %min3A_860, %min3A_860 masked %masked_sort3A_861 : (vector<16xf32>, vector<16xf32>, vector<16xi1>) -> (vector<16xi1>, vector<16xf32>, vector<16xf32>)
        scf.yield %masked_sort3A_638, %masked_sort3A_653, %masked_sort3A_668, %masked_sort3A_683, %masked_sort3A_698, %masked_sort3A_713, %masked_sort3A_728, %masked_sort3A_743, %masked_sort3A_758, %masked_sort3A_773, %masked_sort3A_788, %masked_sort3A_803, %masked_sort3A_818, %masked_sort3A_833, %masked_sort3A_848, %masked_sort3A_863 : vector<16xf32>, vector<16xf32>, vector<16xf32>, vector<16xf32>, vector<16xf32>, vector<16xf32>, vector<16xf32>, vector<16xf32>, vector<16xf32>, vector<16xf32>, vector<16xf32>, vector<16xf32>, vector<16xf32>, vector<16xf32>, vector<16xf32>, vector<16xf32>
      }
      %scan3A_456 = arith.constant 63 : i32
      %iota3A_457 = tpu.iota {dimensions = array<i32: 0>} : vector<16xi32>
      %broadcast_in_dim3A_458 = arith.constant 0.000000e+00 : f32
      %broadcast_in_dim3A_459 = vector.broadcast %broadcast_in_dim3A_458 : f32 to vector<16xf32>
      %reduce_max3A_460 = arith.constant true
      %reduce_max3A_461 = vector.broadcast %reduce_max3A_460 : i1 to vector<16xi1>
      %reduce_max3A_462 = tpu.scan <max>, %scan3A_455#0 masked %reduce_max3A_461 : vector<16xf32>, vector<16xi1> -> vector<16xf32>
      %reduce_max3A_463 = vector.extract %reduce_max3A_462[15] : f32 from vector<16xf32>
      %eq3A_464 = arith.constant 0 : i32
      %eq3A_465 = vector.broadcast %eq3A_464 : i32 to vector<16xi32>
      %eq3A_466 = arith.cmpi eq, %iota3A_457, %eq3A_465 : vector<16xi32>
      %broadcast_in_dim3A_467 = vector.broadcast %reduce_max3A_463 : f32 to vector<16xf32>
      %select_n3A_468 = arith.select %eq3A_466, %broadcast_in_dim3A_467, %broadcast_in_dim3A_459 : vector<16xi1>, vector<16xf32>
      %reduce_max3A_469 = arith.constant true
      %reduce_max3A_470 = vector.broadcast %reduce_max3A_469 : i1 to vector<16xi1>
      %reduce_max3A_471 = tpu.scan <max>, %scan3A_455#1 masked %reduce_max3A_470 : vector<16xf32>, vector<16xi1> -> vector<16xf32>
      %reduce_max3A_472 = vector.extract %reduce_max3A_471[15] : f32 from vector<16xf32>
      %eq3A_473 = arith.constant 1 : i32
      %eq3A_474 = vector.broadcast %eq3A_473 : i32 to vector<16xi32>
      %eq3A_475 = arith.cmpi eq, %iota3A_457, %eq3A_474 : vector<16xi32>
      %broadcast_in_dim3A_476 = vector.broadcast %reduce_max3A_472 : f32 to vector<16xf32>
      %select_n3A_477 = arith.select %eq3A_475, %broadcast_in_dim3A_476, %select_n3A_468 : vector<16xi1>, vector<16xf32>
      %reduce_max3A_478 = arith.constant true
      %reduce_max3A_479 = vector.broadcast %reduce_max3A_478 : i1 to vector<16xi1>
      %reduce_max3A_480 = tpu.scan <max>, %scan3A_455#2 masked %reduce_max3A_479 : vector<16xf32>, vector<16xi1> -> vector<16xf32>
      %reduce_max3A_481 = vector.extract %reduce_max3A_480[15] : f32 from vector<16xf32>
      %eq3A_482 = arith.constant 2 : i32
      %eq3A_483 = vector.broadcast %eq3A_482 : i32 to vector<16xi32>
      %eq3A_484 = arith.cmpi eq, %iota3A_457, %eq3A_483 : vector<16xi32>
      %broadcast_in_dim3A_485 = vector.broadcast %reduce_max3A_481 : f32 to vector<16xf32>
      %select_n3A_486 = arith.select %eq3A_484, %broadcast_in_dim3A_485, %select_n3A_477 : vector<16xi1>, vector<16xf32>
      %reduce_max3A_487 = arith.constant true
      %reduce_max3A_488 = vector.broadcast %reduce_max3A_487 : i1 to vector<16xi1>
      %reduce_max3A_489 = tpu.scan <max>, %scan3A_455#3 masked %reduce_max3A_488 : vector<16xf32>, vector<16xi1> -> vector<16xf32>
      %reduce_max3A_490 = vector.extract %reduce_max3A_489[15] : f32 from vector<16xf32>
      %eq3A_491 = arith.constant 3 : i32
      %eq3A_492 = vector.broadcast %eq3A_491 : i32 to vector<16xi32>
      %eq3A_493 = arith.cmpi eq, %iota3A_457, %eq3A_492 : vector<16xi32>
      %broadcast_in_dim3A_494 = vector.broadcast %reduce_max3A_490 : f32 to vector<16xf32>
      %select_n3A_495 = arith.select %eq3A_493, %broadcast_in_dim3A_494, %select_n3A_486 : vector<16xi1>, vector<16xf32>
      %reduce_max3A_496 = arith.constant true
      %reduce_max3A_497 = vector.broadcast %reduce_max3A_496 : i1 to vector<16xi1>
      %reduce_max3A_498 = tpu.scan <max>, %scan3A_455#4 masked %reduce_max3A_497 : vector<16xf32>, vector<16xi1> -> vector<16xf32>
      %reduce_max3A_499 = vector.extract %reduce_max3A_498[15] : f32 from vector<16xf32>
      %eq3A_500 = arith.constant 4 : i32
      %eq3A_501 = vector.broadcast %eq3A_500 : i32 to vector<16xi32>
      %eq3A_502 = arith.cmpi eq, %iota3A_457, %eq3A_501 : vector<16xi32>
      %broadcast_in_dim3A_503 = vector.broadcast %reduce_max3A_499 : f32 to vector<16xf32>
      %select_n3A_504 = arith.select %eq3A_502, %broadcast_in_dim3A_503, %select_n3A_495 : vector<16xi1>, vector<16xf32>
      %reduce_max3A_505 = arith.constant true
      %reduce_max3A_506 = vector.broadcast %reduce_max3A_505 : i1 to vector<16xi1>
      %reduce_max3A_507 = tpu.scan <max>, %scan3A_455#5 masked %reduce_max3A_506 : vector<16xf32>, vector<16xi1> -> vector<16xf32>
      %reduce_max3A_508 = vector.extract %reduce_max3A_507[15] : f32 from vector<16xf32>
      %eq3A_509 = arith.constant 5 : i32
      %eq3A_510 = vector.broadcast %eq3A_509 : i32 to vector<16xi32>
      %eq3A_511 = arith.cmpi eq, %iota3A_457, %eq3A_510 : vector<16xi32>
      %broadcast_in_dim3A_512 = vector.broadcast %reduce_max3A_508 : f32 to vector<16xf32>
      %select_n3A_513 = arith.select %eq3A_511, %broadcast_in_dim3A_512, %select_n3A_504 : vector<16xi1>, vector<16xf32>
      %reduce_max3A_514 = arith.constant true
      %reduce_max3A_515 = vector.broadcast %reduce_max3A_514 : i1 to vector<16xi1>
      %reduce_max3A_516 = tpu.scan <max>, %scan3A_455#6 masked %reduce_max3A_515 : vector<16xf32>, vector<16xi1> -> vector<16xf32>
      %reduce_max3A_517 = vector.extract %reduce_max3A_516[15] : f32 from vector<16xf32>
      %eq3A_518 = arith.constant 6 : i32
      %eq3A_519 = vector.broadcast %eq3A_518 : i32 to vector<16xi32>
      %eq3A_520 = arith.cmpi eq, %iota3A_457, %eq3A_519 : vector<16xi32>
      %broadcast_in_dim3A_521 = vector.broadcast %reduce_max3A_517 : f32 to vector<16xf32>
      %select_n3A_522 = arith.select %eq3A_520, %broadcast_in_dim3A_521, %select_n3A_513 : vector<16xi1>, vector<16xf32>
      %reduce_max3A_523 = arith.constant true
      %reduce_max3A_524 = vector.broadcast %reduce_max3A_523 : i1 to vector<16xi1>
      %reduce_max3A_525 = tpu.scan <max>, %scan3A_455#7 masked %reduce_max3A_524 : vector<16xf32>, vector<16xi1> -> vector<16xf32>
      %reduce_max3A_526 = vector.extract %reduce_max3A_525[15] : f32 from vector<16xf32>
      %eq3A_527 = arith.constant 7 : i32
      %eq3A_528 = vector.broadcast %eq3A_527 : i32 to vector<16xi32>
      %eq3A_529 = arith.cmpi eq, %iota3A_457, %eq3A_528 : vector<16xi32>
      %broadcast_in_dim3A_530 = vector.broadcast %reduce_max3A_526 : f32 to vector<16xf32>
      %select_n3A_531 = arith.select %eq3A_529, %broadcast_in_dim3A_530, %select_n3A_522 : vector<16xi1>, vector<16xf32>
      %reduce_max3A_532 = arith.constant true
      %reduce_max3A_533 = vector.broadcast %reduce_max3A_532 : i1 to vector<16xi1>
      %reduce_max3A_534 = tpu.scan <max>, %scan3A_455#8 masked %reduce_max3A_533 : vector<16xf32>, vector<16xi1> -> vector<16xf32>
      %reduce_max3A_535 = vector.extract %reduce_max3A_534[15] : f32 from vector<16xf32>
      %eq3A_536 = arith.constant 8 : i32
      %eq3A_537 = vector.broadcast %eq3A_536 : i32 to vector<16xi32>
      %eq3A_538 = arith.cmpi eq, %iota3A_457, %eq3A_537 : vector<16xi32>
      %broadcast_in_dim3A_539 = vector.broadcast %reduce_max3A_535 : f32 to vector<16xf32>
      %select_n3A_540 = arith.select %eq3A_538, %broadcast_in_dim3A_539, %select_n3A_531 : vector<16xi1>, vector<16xf32>
      %reduce_max3A_541 = arith.constant true
      %reduce_max3A_542 = vector.broadcast %reduce_max3A_541 : i1 to vector<16xi1>
      %reduce_max3A_543 = tpu.scan <max>, %scan3A_455#9 masked %reduce_max3A_542 : vector<16xf32>, vector<16xi1> -> vector<16xf32>
      %reduce_max3A_544 = vector.extract %reduce_max3A_543[15] : f32 from vector<16xf32>
      %eq3A_545 = arith.constant 9 : i32
      %eq3A_546 = vector.broadcast %eq3A_545 : i32 to vector<16xi32>
      %eq3A_547 = arith.cmpi eq, %iota3A_457, %eq3A_546 : vector<16xi32>
      %broadcast_in_dim3A_548 = vector.broadcast %reduce_max3A_544 : f32 to vector<16xf32>
      %select_n3A_549 = arith.select %eq3A_547, %broadcast_in_dim3A_548, %select_n3A_540 : vector<16xi1>, vector<16xf32>
      %reduce_max3A_550 = arith.constant true
      %reduce_max3A_551 = vector.broadcast %reduce_max3A_550 : i1 to vector<16xi1>
      %reduce_max3A_552 = tpu.scan <max>, %scan3A_455#10 masked %reduce_max3A_551 : vector<16xf32>, vector<16xi1> -> vector<16xf32>
      %reduce_max3A_553 = vector.extract %reduce_max3A_552[15] : f32 from vector<16xf32>
      %eq3A_554 = arith.constant 10 : i32
      %eq3A_555 = vector.broadcast %eq3A_554 : i32 to vector<16xi32>
      %eq3A_556 = arith.cmpi eq, %iota3A_457, %eq3A_555 : vector<16xi32>
      %broadcast_in_dim3A_557 = vector.broadcast %reduce_max3A_553 : f32 to vector<16xf32>
      %select_n3A_558 = arith.select %eq3A_556, %broadcast_in_dim3A_557, %select_n3A_549 : vector<16xi1>, vector<16xf32>
      %reduce_max3A_559 = arith.constant true
      %reduce_max3A_560 = vector.broadcast %reduce_max3A_559 : i1 to vector<16xi1>
      %reduce_max3A_561 = tpu.scan <max>, %scan3A_455#11 masked %reduce_max3A_560 : vector<16xf32>, vector<16xi1> -> vector<16xf32>
      %reduce_max3A_562 = vector.extract %reduce_max3A_561[15] : f32 from vector<16xf32>
      %eq3A_563 = arith.constant 11 : i32
      %eq3A_564 = vector.broadcast %eq3A_563 : i32 to vector<16xi32>
      %eq3A_565 = arith.cmpi eq, %iota3A_457, %eq3A_564 : vector<16xi32>
      %broadcast_in_dim3A_566 = vector.broadcast %reduce_max3A_562 : f32 to vector<16xf32>
      %select_n3A_567 = arith.select %eq3A_565, %broadcast_in_dim3A_566, %select_n3A_558 : vector<16xi1>, vector<16xf32>
      %reduce_max3A_568 = arith.constant true
      %reduce_max3A_569 = vector.broadcast %reduce_max3A_568 : i1 to vector<16xi1>
      %reduce_max3A_570 = tpu.scan <max>, %scan3A_455#12 masked %reduce_max3A_569 : vector<16xf32>, vector<16xi1> -> vector<16xf32>
      %reduce_max3A_571 = vector.extract %reduce_max3A_570[15] : f32 from vector<16xf32>
      %eq3A_572 = arith.constant 12 : i32
      %eq3A_573 = vector.broadcast %eq3A_572 : i32 to vector<16xi32>
      %eq3A_574 = arith.cmpi eq, %iota3A_457, %eq3A_573 : vector<16xi32>
      %broadcast_in_dim3A_575 = vector.broadcast %reduce_max3A_571 : f32 to vector<16xf32>
      %select_n3A_576 = arith.select %eq3A_574, %broadcast_in_dim3A_575, %select_n3A_567 : vector<16xi1>, vector<16xf32>
      %reduce_max3A_577 = arith.constant true
      %reduce_max3A_578 = vector.broadcast %reduce_max3A_577 : i1 to vector<16xi1>
      %reduce_max3A_579 = tpu.scan <max>, %scan3A_455#13 masked %reduce_max3A_578 : vector<16xf32>, vector<16xi1> -> vector<16xf32>
      %reduce_max3A_580 = vector.extract %reduce_max3A_579[15] : f32 from vector<16xf32>
      %eq3A_581 = arith.constant 13 : i32
      %eq3A_582 = vector.broadcast %eq3A_581 : i32 to vector<16xi32>
      %eq3A_583 = arith.cmpi eq, %iota3A_457, %eq3A_582 : vector<16xi32>
      %broadcast_in_dim3A_584 = vector.broadcast %reduce_max3A_580 : f32 to vector<16xf32>
      %select_n3A_585 = arith.select %eq3A_583, %broadcast_in_dim3A_584, %select_n3A_576 : vector<16xi1>, vector<16xf32>
      %reduce_max3A_586 = arith.constant true
      %reduce_max3A_587 = vector.broadcast %reduce_max3A_586 : i1 to vector<16xi1>
      %reduce_max3A_588 = tpu.scan <max>, %scan3A_455#14 masked %reduce_max3A_587 : vector<16xf32>, vector<16xi1> -> vector<16xf32>
      %reduce_max3A_589 = vector.extract %reduce_max3A_588[15] : f32 from vector<16xf32>
      %eq3A_590 = arith.constant 14 : i32
      %eq3A_591 = vector.broadcast %eq3A_590 : i32 to vector<16xi32>
      %eq3A_592 = arith.cmpi eq, %iota3A_457, %eq3A_591 : vector<16xi32>
      %broadcast_in_dim3A_593 = vector.broadcast %reduce_max3A_589 : f32 to vector<16xf32>
      %select_n3A_594 = arith.select %eq3A_592, %broadcast_in_dim3A_593, %select_n3A_585 : vector<16xi1>, vector<16xf32>
      %reduce_max3A_595 = arith.constant true
      %reduce_max3A_596 = vector.broadcast %reduce_max3A_595 : i1 to vector<16xi1>
      %reduce_max3A_597 = tpu.scan <max>, %scan3A_455#15 masked %reduce_max3A_596 : vector<16xf32>, vector<16xi1> -> vector<16xf32>
      %reduce_max3A_598 = vector.extract %reduce_max3A_597[15] : f32 from vector<16xf32>
      %eq3A_599 = arith.constant 15 : i32
      %eq3A_600 = vector.broadcast %eq3A_599 : i32 to vector<16xi32>
      %eq3A_601 = arith.cmpi eq, %iota3A_457, %eq3A_600 : vector<16xi32>
      %broadcast_in_dim3A_602 = vector.broadcast %reduce_max3A_598 : f32 to vector<16xf32>
      %select_n3A_603 = arith.select %eq3A_601, %broadcast_in_dim3A_602, %select_n3A_594 : vector<16xi1>, vector<16xf32>
      %mul3A_604 = arith.constant 16 : i32
      %mul3A_605 = arith.muli %add3A_322, %mul3A_604 : i32
      %swap3A_606 = arith.index_cast %mul3A_605 : i32 to index
      %swap3A_607 = tpu.vector_load %arg6[%swap3A_606] {strides = array<i32>} : memref<512xf32, #tpu.memory_space<vmem>>, vector<16xf32>,
      tpu.vector_store %arg6[%swap3A_606], %select_n3A_603 {strides = array<i32>} : memref<512xf32, #tpu.memory_space<vmem>>, vector<16xf32>,
      %scan3A_608 = arith.constant 0 : i32
      scf.yield %scan3A_608 : i32
    }
    %scan3A_13 = arith.constant 16 : i32
    "tpu.region"() ({
      %run_scoped3A = tpu.sem_alloc : memref<!tpu.dma_semaphore, #tpu.memory_space<semaphore_mem>>
      %dma_start3A_14 = tpu.memref_slice %arg3[%mul3A_2] : memref<16384xf32, #tpu.memory_space<hbm>> -> memref<512xf32, #tpu.memory_space<hbm>>
      %dma_start3A_15 = tpu.memref_slice %arg3[%mul3A_2] : memref<16384xf32, #tpu.memory_space<hbm>> -> memref<512xf32, #tpu.memory_space<hbm>>
      tpu.enqueue_dma source(%arg6 : memref<512xf32, #tpu.memory_space<vmem>>) target(%dma_start3A_15 : memref<512xf32, #tpu.memory_space<hbm>>) target_semaphore(%run_scoped3A : memref<!tpu.dma_semaphore, #tpu.memory_space<semaphore_mem>>)
      %dma_wait3A = tpu.memref_slice %arg3[%mul3A_2] : memref<16384xf32, #tpu.memory_space<hbm>> -> memref<512xf32, #tpu.memory_space<hbm>>
      %dma_wait3A_16 = tpu.memref_slice %arg3[%mul3A_2] : memref<16384xf32, #tpu.memory_space<hbm>> -> memref<512xf32, #tpu.memory_space<hbm>>
      tpu.wait_dma2 semaphore(%run_scoped3A : memref<!tpu.dma_semaphore, #tpu.memory_space<semaphore_mem>>) src(%arg6 : memref<512xf32, #tpu.memory_space<vmem>>) dst(%dma_wait3A_16 : memref<512xf32, #tpu.memory_space<hbm>>)
      tpu.yield
    }) : () -> ()
    return
  }
}

module attributes {stable_mosaic.version = 14 : i64} {
  func.func @_dist_kernel(%arg0: i32, %arg1: memref<1x96x1024xf32, #tpu.memory_space<vmem>>, %arg2: memref<1x1024x1024xf32, #tpu.memory_space<vmem>>) attributes {dimension_semantics = [#tpu.dimension_semantics<arbitrary>], iteration_bounds = array<i64: 16>, scalar_prefetch = 0 : i64, scratch_operands = 0 : i64, tpu.core_type = #tpu.core_type<tc>, window_params = [{transform_indices = @transform_0, window_bounds = array<i64: 1, 96, 1024>}, {transform_indices = @transform_1, window_bounds = array<i64: 1, 1024, 1024>}]} {
    %get3A = arith.constant 0 : index
    %get3A_0 = arith.constant 0 : index
    %get3A_1 = arith.constant 0 : index
    %get3A_2 = vector.load %arg1[%get3A, %get3A_0, %get3A_1] : memref<1x96x1024xf32, #tpu.memory_space<vmem>>, vector<1x96x1024xf32>
    %get3A_3 = vector.shape_cast %get3A_2 : vector<1x96x1024xf32> to vector<96x1024xf32>
    %mul3A = arith.mulf %get3A_3, %get3A_3 : vector<96x1024xf32>
    %reduce_sum3A = arith.constant dense<0.000000e+00> : vector<1024xf32>
    %reduce_sum3A_4 = vector.multi_reduction <add>, %mul3A, %reduce_sum3A [0] : vector<96x1024xf32> to vector<1024xf32>
    %broadcast_in_dim3A = vector.shape_cast %reduce_sum3A_4 : vector<1024xf32> to vector<1x1024xf32>
    %dot_general3A = arith.constant dense<0.000000e+00> : vector<1024x1024xf32>
    %dot_general3A_5 = tpu.matmul %get3A_3, %get3A_3, %dot_general3A {dimension_numbers = #tpu.dot_dimension_numbers<[0], [0], [1], [1], [0, 1, 1, 1], [], []>, transpose_lhs_hint = false} : vector<96x1024xf32>, vector<96x1024xf32>, vector<1024x1024xf32> -> vector<1024x1024xf32>
    %transpose3A = tpu.transpose %broadcast_in_dim3A, [1, 0] : vector<1x1024xf32> -> vector<1024x1xf32>
    %add3A = vector.broadcast %transpose3A : vector<1024x1xf32> to vector<1024x1024xf32>
    %add3A_6 = vector.broadcast %broadcast_in_dim3A : vector<1x1024xf32> to vector<1024x1024xf32>
    %add3A_7 = arith.addf %add3A, %add3A_6 : vector<1024x1024xf32>
    %mul3A_8 = arith.constant 2.000000e+00 : f32
    %mul3A_9 = vector.broadcast %mul3A_8 : f32 to vector<1024x1024xf32>
    %mul3A_10 = arith.mulf %mul3A_9, %dot_general3A_5 : vector<1024x1024xf32>
    %sub3A = arith.subf %add3A_7, %mul3A_10 : vector<1024x1024xf32>
    %iota3A = tpu.iota {dimensions = array<i32: 0>} : vector<1024x1024xi32>
    %iota3A_11 = tpu.iota {dimensions = array<i32: 1>} : vector<1024x1024xi32>
    %ne3A = arith.cmpi ne, %iota3A, %iota3A_11 : vector<1024x1024xi32>
    %jit3A = arith.constant 1.000000e+10 : f32
    %broadcast_in_dim3A_12 = vector.broadcast %jit3A : f32 to vector<1024x1024xf32>
    %select_n3A = arith.select %ne3A, %sub3A, %broadcast_in_dim3A_12 : vector<1024x1024xi1>, vector<1024x1024xf32>
    %swap3A = arith.constant 0 : index
    %swap3A_13 = arith.constant 0 : index
    %swap3A_14 = arith.constant 0 : index
    %swap3A_15 = vector.load %arg2[%swap3A, %swap3A_13, %swap3A_14] : memref<1x1024x1024xf32, #tpu.memory_space<vmem>>, vector<1x1024x1024xf32>
    %swap3A_16 = vector.shape_cast %swap3A_15 : vector<1x1024x1024xf32> to vector<1024x1024xf32>
    %swap3A_17 = vector.shape_cast %select_n3A : vector<1024x1024xf32> to vector<1x1024x1024xf32>
    tpu.vector_store %arg2[%swap3A, %swap3A_13, %swap3A_14], %swap3A_17 {strides = array<i32>} : memref<1x1024x1024xf32, #tpu.memory_space<vmem>>, vector<1x1024x1024xf32>,
    return
  }
  func.func @transform_0(%arg0: i32) -> (i32, i32, i32) {
    %c0_i32 = arith.constant 0 : i32
    %c0_i32_0 = arith.constant 0 : i32
    %c0_i32_1 = arith.constant 0 : i32
    return %arg0, %c0_i32, %c0_i32_0 : i32, i32, i32
  }
  func.func @transform_1(%arg0: i32) -> (i32, i32, i32) {
    %c0_i32 = arith.constant 0 : i32
    %c0_i32_0 = arith.constant 0 : i32
    %c0_i32_1 = arith.constant 0 : i32
    return %arg0, %c0_i32, %c0_i32_0 : i32, i32, i32
  }
}

module attributes {stable_mosaic.version = 14 : i64} {
  func.func @_fused_kernel(%arg0: i32, %arg1: memref<1x96x1024xf32, #tpu.memory_space<vmem>>, %arg2: memref<96x96xf32, #tpu.memory_space<vmem>>, %arg3: memref<96x1xf32, #tpu.memory_space<vmem>>, %arg4: memref<96x1xf32, #tpu.memory_space<vmem>>, %arg5: memref<96x1xf32, #tpu.memory_space<vmem>>, %arg6: memref<1x96x1024xf32, #tpu.memory_space<vmem>>) attributes {dimension_semantics = [#tpu.dimension_semantics<arbitrary>], iteration_bounds = array<i64: 16>, scalar_prefetch = 0 : i64, scratch_operands = 0 : i64, tpu.core_type = #tpu.core_type<tc>, window_params = [{transform_indices = @transform_0, window_bounds = array<i64: 1, 96, 1024>}, {pipeline_mode = #tpu.pipeline_mode<synchronous>, transform_indices = @transform_1, window_bounds = array<i64: 96, 96>}, {pipeline_mode = #tpu.pipeline_mode<synchronous>, transform_indices = @transform_2, window_bounds = array<i64: 96, 1>}, {pipeline_mode = #tpu.pipeline_mode<synchronous>, transform_indices = @transform_3, window_bounds = array<i64: 96, 1>}, {pipeline_mode = #tpu.pipeline_mode<synchronous>, transform_indices = @transform_4, window_bounds = array<i64: 96, 1>}, {transform_indices = @transform_5, window_bounds = array<i64: 1, 96, 1024>}]} {
    %get3A = arith.constant 0 : index
    %get3A_0 = arith.constant 0 : index
    %get3A_1 = arith.constant 0 : index
    %get3A_2 = vector.load %arg1[%get3A, %get3A_0, %get3A_1] : memref<1x96x1024xf32, #tpu.memory_space<vmem>>, vector<1x96x1024xf32>
    %get3A_3 = vector.shape_cast %get3A_2 : vector<1x96x1024xf32> to vector<96x1024xf32>
    %mul3A = arith.mulf %get3A_3, %get3A_3 : vector<96x1024xf32>
    %reduce_sum3A = arith.constant dense<0.000000e+00> : vector<1024xf32>
    %reduce_sum3A_4 = vector.multi_reduction <add>, %mul3A, %reduce_sum3A [0] : vector<96x1024xf32> to vector<1024xf32>
    %broadcast_in_dim3A = vector.shape_cast %reduce_sum3A_4 : vector<1024xf32> to vector<1x1024xf32>
    %dot_general3A = arith.constant dense<0.000000e+00> : vector<1024x1024xf32>
    %dot_general3A_5 = tpu.matmul %get3A_3, %get3A_3, %dot_general3A {dimension_numbers = #tpu.dot_dimension_numbers<[0], [0], [1], [1], [0, 1, 1, 1], [], []>, transpose_lhs_hint = false} : vector<96x1024xf32>, vector<96x1024xf32>, vector<1024x1024xf32> -> vector<1024x1024xf32>
    %transpose3A = tpu.transpose %broadcast_in_dim3A, [1, 0] : vector<1x1024xf32> -> vector<1024x1xf32>
    %add3A = vector.broadcast %transpose3A : vector<1024x1xf32> to vector<1024x1024xf32>
    %add3A_6 = vector.broadcast %broadcast_in_dim3A : vector<1x1024xf32> to vector<1024x1024xf32>
    %add3A_7 = arith.addf %add3A, %add3A_6 : vector<1024x1024xf32>
    %mul3A_8 = arith.constant 2.000000e+00 : f32
    %mul3A_9 = vector.broadcast %mul3A_8 : f32 to vector<1024x1024xf32>
    %mul3A_10 = arith.mulf %mul3A_9, %dot_general3A_5 : vector<1024x1024xf32>
    %sub3A = arith.subf %add3A_7, %mul3A_10 : vector<1024x1024xf32>
    %iota3A = tpu.iota {dimensions = array<i32: 0>} : vector<1024x1024xi32>
    %iota3A_11 = tpu.iota {dimensions = array<i32: 1>} : vector<1024x1024xi32>
    %ne3A = arith.cmpi ne, %iota3A, %iota3A_11 : vector<1024x1024xi32>
    %jit3A = arith.constant 1.000000e+10 : f32
    %broadcast_in_dim3A_12 = vector.broadcast %jit3A : f32 to vector<1024x1024xf32>
    %select_n3A = arith.select %ne3A, %sub3A, %broadcast_in_dim3A_12 : vector<1024x1024xi1>, vector<1024x1024xf32>
    %reduce_min3A = arith.constant dense<0x7F800000> : vector<1024xf32>
    %reduce_min3A_13 = vector.multi_reduction <minimumf>, %select_n3A, %reduce_min3A [1] : vector<1024x1024xf32> to vector<1024xf32>
    %broadcast_in_dim3A_14 = vector.shape_cast %reduce_min3A_13 : vector<1024xf32> to vector<1024x1xf32>
    %gt3A = vector.broadcast %broadcast_in_dim3A_14 : vector<1024x1xf32> to vector<1024x1024xf32>
    %gt3A_15 = arith.cmpf ogt, %select_n3A, %gt3A : vector<1024x1024xf32>
    %jit3A_16 = arith.constant 1.000000e+10 : f32
    %broadcast_in_dim3A_17 = vector.broadcast %jit3A_16 : f32 to vector<1024x1024xf32>
    %select_n3A_18 = arith.select %gt3A_15, %select_n3A, %broadcast_in_dim3A_17 : vector<1024x1024xi1>, vector<1024x1024xf32>
    %reduce_min3A_19 = arith.constant dense<0x7F800000> : vector<1024xf32>
    %reduce_min3A_20 = vector.multi_reduction <minimumf>, %select_n3A_18, %reduce_min3A_19 [1] : vector<1024x1024xf32> to vector<1024xf32>
    %broadcast_in_dim3A_21 = vector.shape_cast %reduce_min3A_20 : vector<1024xf32> to vector<1024x1xf32>
    %gt3A_22 = vector.broadcast %broadcast_in_dim3A_21 : vector<1024x1xf32> to vector<1024x1024xf32>
    %gt3A_23 = arith.cmpf ogt, %select_n3A, %gt3A_22 : vector<1024x1024xf32>
    %jit3A_24 = arith.constant 1.000000e+10 : f32
    %broadcast_in_dim3A_25 = vector.broadcast %jit3A_24 : f32 to vector<1024x1024xf32>
    %select_n3A_26 = arith.select %gt3A_23, %select_n3A, %broadcast_in_dim3A_25 : vector<1024x1024xi1>, vector<1024x1024xf32>
    %reduce_min3A_27 = arith.constant dense<0x7F800000> : vector<1024xf32>
    %reduce_min3A_28 = vector.multi_reduction <minimumf>, %select_n3A_26, %reduce_min3A_27 [1] : vector<1024x1024xf32> to vector<1024xf32>
    %broadcast_in_dim3A_29 = vector.shape_cast %reduce_min3A_28 : vector<1024xf32> to vector<1024x1xf32>
    %gt3A_30 = vector.broadcast %broadcast_in_dim3A_29 : vector<1024x1xf32> to vector<1024x1024xf32>
    %gt3A_31 = arith.cmpf ogt, %select_n3A, %gt3A_30 : vector<1024x1024xf32>
    %jit3A_32 = arith.constant 1.000000e+10 : f32
    %broadcast_in_dim3A_33 = vector.broadcast %jit3A_32 : f32 to vector<1024x1024xf32>
    %select_n3A_34 = arith.select %gt3A_31, %select_n3A, %broadcast_in_dim3A_33 : vector<1024x1024xi1>, vector<1024x1024xf32>
    %reduce_min3A_35 = arith.constant dense<0x7F800000> : vector<1024xf32>
    %reduce_min3A_36 = vector.multi_reduction <minimumf>, %select_n3A_34, %reduce_min3A_35 [1] : vector<1024x1024xf32> to vector<1024xf32>
    %broadcast_in_dim3A_37 = vector.shape_cast %reduce_min3A_36 : vector<1024xf32> to vector<1024x1xf32>
    %gt3A_38 = vector.broadcast %broadcast_in_dim3A_37 : vector<1024x1xf32> to vector<1024x1024xf32>
    %gt3A_39 = arith.cmpf ogt, %select_n3A, %gt3A_38 : vector<1024x1024xf32>
    %jit3A_40 = arith.constant 1.000000e+10 : f32
    %broadcast_in_dim3A_41 = vector.broadcast %jit3A_40 : f32 to vector<1024x1024xf32>
    %select_n3A_42 = arith.select %gt3A_39, %select_n3A, %broadcast_in_dim3A_41 : vector<1024x1024xi1>, vector<1024x1024xf32>
    %reduce_min3A_43 = arith.constant dense<0x7F800000> : vector<1024xf32>
    %reduce_min3A_44 = vector.multi_reduction <minimumf>, %select_n3A_42, %reduce_min3A_43 [1] : vector<1024x1024xf32> to vector<1024xf32>
    %broadcast_in_dim3A_45 = vector.shape_cast %reduce_min3A_44 : vector<1024xf32> to vector<1024x1xf32>
    %gt3A_46 = vector.broadcast %broadcast_in_dim3A_45 : vector<1024x1xf32> to vector<1024x1024xf32>
    %gt3A_47 = arith.cmpf ogt, %select_n3A, %gt3A_46 : vector<1024x1024xf32>
    %jit3A_48 = arith.constant 1.000000e+10 : f32
    %broadcast_in_dim3A_49 = vector.broadcast %jit3A_48 : f32 to vector<1024x1024xf32>
    %select_n3A_50 = arith.select %gt3A_47, %select_n3A, %broadcast_in_dim3A_49 : vector<1024x1024xi1>, vector<1024x1024xf32>
    %reduce_min3A_51 = arith.constant dense<0x7F800000> : vector<1024xf32>
    %reduce_min3A_52 = vector.multi_reduction <minimumf>, %select_n3A_50, %reduce_min3A_51 [1] : vector<1024x1024xf32> to vector<1024xf32>
    %broadcast_in_dim3A_53 = vector.shape_cast %reduce_min3A_52 : vector<1024xf32> to vector<1024x1xf32>
    %gt3A_54 = vector.broadcast %broadcast_in_dim3A_53 : vector<1024x1xf32> to vector<1024x1024xf32>
    %gt3A_55 = arith.cmpf ogt, %select_n3A, %gt3A_54 : vector<1024x1024xf32>
    %jit3A_56 = arith.constant 1.000000e+10 : f32
    %broadcast_in_dim3A_57 = vector.broadcast %jit3A_56 : f32 to vector<1024x1024xf32>
    %select_n3A_58 = arith.select %gt3A_55, %select_n3A, %broadcast_in_dim3A_57 : vector<1024x1024xi1>, vector<1024x1024xf32>
    %reduce_min3A_59 = arith.constant dense<0x7F800000> : vector<1024xf32>
    %reduce_min3A_60 = vector.multi_reduction <minimumf>, %select_n3A_58, %reduce_min3A_59 [1] : vector<1024x1024xf32> to vector<1024xf32>
    %broadcast_in_dim3A_61 = vector.shape_cast %reduce_min3A_60 : vector<1024xf32> to vector<1024x1xf32>
    %gt3A_62 = vector.broadcast %broadcast_in_dim3A_61 : vector<1024x1xf32> to vector<1024x1024xf32>
    %gt3A_63 = arith.cmpf ogt, %select_n3A, %gt3A_62 : vector<1024x1024xf32>
    %jit3A_64 = arith.constant 1.000000e+10 : f32
    %broadcast_in_dim3A_65 = vector.broadcast %jit3A_64 : f32 to vector<1024x1024xf32>
    %select_n3A_66 = arith.select %gt3A_63, %select_n3A, %broadcast_in_dim3A_65 : vector<1024x1024xi1>, vector<1024x1024xf32>
    %reduce_min3A_67 = arith.constant dense<0x7F800000> : vector<1024xf32>
    %reduce_min3A_68 = vector.multi_reduction <minimumf>, %select_n3A_66, %reduce_min3A_67 [1] : vector<1024x1024xf32> to vector<1024xf32>
    %broadcast_in_dim3A_69 = vector.shape_cast %reduce_min3A_68 : vector<1024xf32> to vector<1024x1xf32>
    %gt3A_70 = vector.broadcast %broadcast_in_dim3A_69 : vector<1024x1xf32> to vector<1024x1024xf32>
    %gt3A_71 = arith.cmpf ogt, %select_n3A, %gt3A_70 : vector<1024x1024xf32>
    %jit3A_72 = arith.constant 1.000000e+10 : f32
    %broadcast_in_dim3A_73 = vector.broadcast %jit3A_72 : f32 to vector<1024x1024xf32>
    %select_n3A_74 = arith.select %gt3A_71, %select_n3A, %broadcast_in_dim3A_73 : vector<1024x1024xi1>, vector<1024x1024xf32>
    %reduce_min3A_75 = arith.constant dense<0x7F800000> : vector<1024xf32>
    %reduce_min3A_76 = vector.multi_reduction <minimumf>, %select_n3A_74, %reduce_min3A_75 [1] : vector<1024x1024xf32> to vector<1024xf32>
    %broadcast_in_dim3A_77 = vector.shape_cast %reduce_min3A_76 : vector<1024xf32> to vector<1024x1xf32>
    %gt3A_78 = vector.broadcast %broadcast_in_dim3A_77 : vector<1024x1xf32> to vector<1024x1024xf32>
    %gt3A_79 = arith.cmpf ogt, %select_n3A, %gt3A_78 : vector<1024x1024xf32>
    %jit3A_80 = arith.constant 1.000000e+10 : f32
    %broadcast_in_dim3A_81 = vector.broadcast %jit3A_80 : f32 to vector<1024x1024xf32>
    %select_n3A_82 = arith.select %gt3A_79, %select_n3A, %broadcast_in_dim3A_81 : vector<1024x1024xi1>, vector<1024x1024xf32>
    %reduce_min3A_83 = arith.constant dense<0x7F800000> : vector<1024xf32>
    %reduce_min3A_84 = vector.multi_reduction <minimumf>, %select_n3A_82, %reduce_min3A_83 [1] : vector<1024x1024xf32> to vector<1024xf32>
    %broadcast_in_dim3A_85 = vector.shape_cast %reduce_min3A_84 : vector<1024xf32> to vector<1024x1xf32>
    %gt3A_86 = vector.broadcast %broadcast_in_dim3A_85 : vector<1024x1xf32> to vector<1024x1024xf32>
    %gt3A_87 = arith.cmpf ogt, %select_n3A, %gt3A_86 : vector<1024x1024xf32>
    %jit3A_88 = arith.constant 1.000000e+10 : f32
    %broadcast_in_dim3A_89 = vector.broadcast %jit3A_88 : f32 to vector<1024x1024xf32>
    %select_n3A_90 = arith.select %gt3A_87, %select_n3A, %broadcast_in_dim3A_89 : vector<1024x1024xi1>, vector<1024x1024xf32>
    %reduce_min3A_91 = arith.constant dense<0x7F800000> : vector<1024xf32>
    %reduce_min3A_92 = vector.multi_reduction <minimumf>, %select_n3A_90, %reduce_min3A_91 [1] : vector<1024x1024xf32> to vector<1024xf32>
    %broadcast_in_dim3A_93 = vector.shape_cast %reduce_min3A_92 : vector<1024xf32> to vector<1024x1xf32>
    %gt3A_94 = vector.broadcast %broadcast_in_dim3A_93 : vector<1024x1xf32> to vector<1024x1024xf32>
    %gt3A_95 = arith.cmpf ogt, %select_n3A, %gt3A_94 : vector<1024x1024xf32>
    %jit3A_96 = arith.constant 1.000000e+10 : f32
    %broadcast_in_dim3A_97 = vector.broadcast %jit3A_96 : f32 to vector<1024x1024xf32>
    %select_n3A_98 = arith.select %gt3A_95, %select_n3A, %broadcast_in_dim3A_97 : vector<1024x1024xi1>, vector<1024x1024xf32>
    %reduce_min3A_99 = arith.constant dense<0x7F800000> : vector<1024xf32>
    %reduce_min3A_100 = vector.multi_reduction <minimumf>, %select_n3A_98, %reduce_min3A_99 [1] : vector<1024x1024xf32> to vector<1024xf32>
    %broadcast_in_dim3A_101 = vector.shape_cast %reduce_min3A_100 : vector<1024xf32> to vector<1024x1xf32>
    %gt3A_102 = vector.broadcast %broadcast_in_dim3A_101 : vector<1024x1xf32> to vector<1024x1024xf32>
    %gt3A_103 = arith.cmpf ogt, %select_n3A, %gt3A_102 : vector<1024x1024xf32>
    %jit3A_104 = arith.constant 1.000000e+10 : f32
    %broadcast_in_dim3A_105 = vector.broadcast %jit3A_104 : f32 to vector<1024x1024xf32>
    %select_n3A_106 = arith.select %gt3A_103, %select_n3A, %broadcast_in_dim3A_105 : vector<1024x1024xi1>, vector<1024x1024xf32>
    %reduce_min3A_107 = arith.constant dense<0x7F800000> : vector<1024xf32>
    %reduce_min3A_108 = vector.multi_reduction <minimumf>, %select_n3A_106, %reduce_min3A_107 [1] : vector<1024x1024xf32> to vector<1024xf32>
    %broadcast_in_dim3A_109 = vector.shape_cast %reduce_min3A_108 : vector<1024xf32> to vector<1024x1xf32>
    %gt3A_110 = vector.broadcast %broadcast_in_dim3A_109 : vector<1024x1xf32> to vector<1024x1024xf32>
    %gt3A_111 = arith.cmpf ogt, %select_n3A, %gt3A_110 : vector<1024x1024xf32>
    %jit3A_112 = arith.constant 1.000000e+10 : f32
    %broadcast_in_dim3A_113 = vector.broadcast %jit3A_112 : f32 to vector<1024x1024xf32>
    %select_n3A_114 = arith.select %gt3A_111, %select_n3A, %broadcast_in_dim3A_113 : vector<1024x1024xi1>, vector<1024x1024xf32>
    %reduce_min3A_115 = arith.constant dense<0x7F800000> : vector<1024xf32>
    %reduce_min3A_116 = vector.multi_reduction <minimumf>, %select_n3A_114, %reduce_min3A_115 [1] : vector<1024x1024xf32> to vector<1024xf32>
    %broadcast_in_dim3A_117 = vector.shape_cast %reduce_min3A_116 : vector<1024xf32> to vector<1024x1xf32>
    %gt3A_118 = vector.broadcast %broadcast_in_dim3A_117 : vector<1024x1xf32> to vector<1024x1024xf32>
    %gt3A_119 = arith.cmpf ogt, %select_n3A, %gt3A_118 : vector<1024x1024xf32>
    %jit3A_120 = arith.constant 1.000000e+10 : f32
    %broadcast_in_dim3A_121 = vector.broadcast %jit3A_120 : f32 to vector<1024x1024xf32>
    %select_n3A_122 = arith.select %gt3A_119, %select_n3A, %broadcast_in_dim3A_121 : vector<1024x1024xi1>, vector<1024x1024xf32>
    %reduce_min3A_123 = arith.constant dense<0x7F800000> : vector<1024xf32>
    %reduce_min3A_124 = vector.multi_reduction <minimumf>, %select_n3A_122, %reduce_min3A_123 [1] : vector<1024x1024xf32> to vector<1024xf32>
    %broadcast_in_dim3A_125 = vector.shape_cast %reduce_min3A_124 : vector<1024xf32> to vector<1024x1xf32>
    %gt3A_126 = vector.broadcast %broadcast_in_dim3A_125 : vector<1024x1xf32> to vector<1024x1024xf32>
    %gt3A_127 = arith.cmpf ogt, %select_n3A, %gt3A_126 : vector<1024x1024xf32>
    %jit3A_128 = arith.constant 1.000000e+10 : f32
    %broadcast_in_dim3A_129 = vector.broadcast %jit3A_128 : f32 to vector<1024x1024xf32>
    %select_n3A_130 = arith.select %gt3A_127, %select_n3A, %broadcast_in_dim3A_129 : vector<1024x1024xi1>, vector<1024x1024xf32>
    %reduce_min3A_131 = arith.constant dense<0x7F800000> : vector<1024xf32>
    %reduce_min3A_132 = vector.multi_reduction <minimumf>, %select_n3A_130, %reduce_min3A_131 [1] : vector<1024x1024xf32> to vector<1024xf32>
    %broadcast_in_dim3A_133 = vector.shape_cast %reduce_min3A_132 : vector<1024xf32> to vector<1024x1xf32>
    %transpose3A_134 = tpu.transpose %broadcast_in_dim3A_133, [1, 0] : vector<1024x1xf32> -> vector<1x1024xf32>
    %le3A = vector.broadcast %transpose3A_134 : vector<1x1024xf32> to vector<1024x1024xf32>
    %le3A_135 = arith.cmpf ole, %select_n3A, %le3A : vector<1024x1024xf32>
    %jit3A_136 = arith.constant 1.000000e+00 : f32
    %jit3A_137 = arith.constant 0.000000e+00 : f32
    %broadcast_in_dim3A_138 = vector.broadcast %jit3A_136 : f32 to vector<1024x1024xf32>
    %broadcast_in_dim3A_139 = vector.broadcast %jit3A_137 : f32 to vector<1024x1024xf32>
    %select_n3A_140 = arith.select %le3A_135, %broadcast_in_dim3A_138, %broadcast_in_dim3A_139 : vector<1024x1024xi1>, vector<1024x1024xf32>
    %get3A_141 = arith.constant 0 : index
    %get3A_142 = arith.constant 0 : index
    %get3A_143 = vector.load %arg2[%get3A_141, %get3A_142] : memref<96x96xf32, #tpu.memory_space<vmem>>, vector<96x96xf32>
    %dot_general3A_144 = arith.constant dense<0.000000e+00> : vector<96x1024xf32>
    %dot_general3A_145 = tpu.matmul %get3A_143, %get3A_3, %dot_general3A_144 {dimension_numbers = #tpu.dot_dimension_numbers<[0], [0], [1], [1], [0, 1, 1, 1], [], []>, transpose_lhs_hint = false} : vector<96x96xf32>, vector<96x1024xf32>, vector<96x1024xf32> -> vector<96x1024xf32>
    %dot_general3A_146 = arith.constant dense<0.000000e+00> : vector<96x1024xf32>
    %dot_general3A_147 = tpu.matmul %dot_general3A_145, %select_n3A_140, %dot_general3A_146 {dimension_numbers = #tpu.dot_dimension_numbers<[1], [0], [0], [1], [0, 0, 1, 1], [], []>, transpose_lhs_hint = false} : vector<96x1024xf32>, vector<1024x1024xf32>, vector<96x1024xf32> -> vector<96x1024xf32>
    %add3A_148 = arith.addf %dot_general3A_147, %dot_general3A_145 : vector<96x1024xf32>
    %mul3A_149 = arith.constant 0.0588235296 : f32
    %mul3A_150 = vector.broadcast %mul3A_149 : f32 to vector<96x1024xf32>
    %mul3A_151 = arith.mulf %add3A_148, %mul3A_150 : vector<96x1024xf32>
    %get3A_152 = arith.constant 0 : index
    %get3A_153 = arith.constant 0 : index
    %get3A_154 = vector.load %arg3[%get3A_152, %get3A_153] : memref<96x1xf32, #tpu.memory_space<vmem>>, vector<96x1xf32>
    %add3A_155 = vector.broadcast %get3A_154 : vector<96x1xf32> to vector<96x1024xf32>
    %add3A_156 = arith.addf %mul3A_151, %add3A_155 : vector<96x1024xf32>
    %get3A_157 = arith.constant 0 : index
    %get3A_158 = arith.constant 0 : index
    %get3A_159 = vector.load %arg4[%get3A_157, %get3A_158] : memref<96x1xf32, #tpu.memory_space<vmem>>, vector<96x1xf32>
    %mul3A_160 = arith.constant 0.999994993 : f32
    %mul3A_161 = vector.broadcast %mul3A_160 : f32 to vector<96x1xf32>
    %mul3A_162 = arith.mulf %get3A_159, %mul3A_161 : vector<96x1xf32>
    %mul3A_163 = vector.broadcast %mul3A_162 : vector<96x1xf32> to vector<96x1024xf32>
    %mul3A_164 = arith.mulf %add3A_156, %mul3A_163 : vector<96x1024xf32>
    %get3A_165 = arith.constant 0 : index
    %get3A_166 = arith.constant 0 : index
    %get3A_167 = vector.load %arg5[%get3A_165, %get3A_166] : memref<96x1xf32, #tpu.memory_space<vmem>>, vector<96x1xf32>
    %add3A_168 = vector.broadcast %get3A_167 : vector<96x1xf32> to vector<96x1024xf32>
    %add3A_169 = arith.addf %mul3A_164, %add3A_168 : vector<96x1024xf32>
    %mul3A_170 = arith.constant 5.000000e-01 : f32
    %mul3A_171 = vector.broadcast %mul3A_170 : f32 to vector<96x1024xf32>
    %mul3A_172 = arith.mulf %add3A_169, %mul3A_171 : vector<96x1024xf32>
    %mul3A_173 = arith.constant 0.707106769 : f32
    %mul3A_174 = vector.broadcast %mul3A_173 : f32 to vector<96x1024xf32>
    %mul3A_175 = arith.mulf %add3A_169, %mul3A_174 : vector<96x1024xf32>
    %erf3A = math.erf %mul3A_175 : vector<96x1024xf32>
    %add3A_176 = arith.constant 1.000000e+00 : f32
    %add3A_177 = vector.broadcast %add3A_176 : f32 to vector<96x1024xf32>
    %add3A_178 = arith.addf %add3A_177, %erf3A : vector<96x1024xf32>
    %mul3A_179 = arith.mulf %mul3A_172, %add3A_178 : vector<96x1024xf32>
    %add3A_180 = arith.addf %mul3A_179, %get3A_3 : vector<96x1024xf32>
    %swap3A = arith.constant 0 : index
    %swap3A_181 = arith.constant 0 : index
    %swap3A_182 = arith.constant 0 : index
    %swap3A_183 = vector.load %arg6[%swap3A, %swap3A_181, %swap3A_182] : memref<1x96x1024xf32, #tpu.memory_space<vmem>>, vector<1x96x1024xf32>
    %swap3A_184 = vector.shape_cast %swap3A_183 : vector<1x96x1024xf32> to vector<96x1024xf32>
    %swap3A_185 = vector.shape_cast %add3A_180 : vector<96x1024xf32> to vector<1x96x1024xf32>
    tpu.vector_store %arg6[%swap3A, %swap3A_181, %swap3A_182], %swap3A_185 {strides = array<i32>} : memref<1x96x1024xf32, #tpu.memory_space<vmem>>, vector<1x96x1024xf32>,
    return
  }
  func.func @transform_0(%arg0: i32) -> (i32, i32, i32) {
    %add3A = arith.constant 16 : i32
    %add3A_0 = arith.addi %arg0, %add3A : i32
    %c0_i32 = arith.constant 0 : i32
    %c0_i32_1 = arith.constant 0 : i32
    %c0_i32_2 = arith.constant 0 : i32
    return %add3A_0, %c0_i32, %c0_i32_1 : i32, i32, i32
  }
  func.func @transform_1(%arg0: i32) -> (i32, i32) {
    %c0_i32 = arith.constant 0 : i32
    %c0_i32_0 = arith.constant 0 : i32
    %c0_i32_1 = arith.constant 0 : i32
    return %c0_i32, %c0_i32_0 : i32, i32
  }
  func.func @transform_2(%arg0: i32) -> (i32, i32) {
    %c0_i32 = arith.constant 0 : i32
    %c0_i32_0 = arith.constant 0 : i32
    %c0_i32_1 = arith.constant 0 : i32
    return %c0_i32, %c0_i32_0 : i32, i32
  }
  func.func @transform_3(%arg0: i32) -> (i32, i32) {
    %c0_i32 = arith.constant 0 : i32
    %c0_i32_0 = arith.constant 0 : i32
    %c0_i32_1 = arith.constant 0 : i32
    return %c0_i32, %c0_i32_0 : i32, i32
  }
  func.func @transform_4(%arg0: i32) -> (i32, i32) {
    %c0_i32 = arith.constant 0 : i32
    %c0_i32_0 = arith.constant 0 : i32
    %c0_i32_1 = arith.constant 0 : i32
    return %c0_i32, %c0_i32_0 : i32, i32
  }
  func.func @transform_5(%arg0: i32) -> (i32, i32, i32) {
    %add3A = arith.constant 16 : i32
    %add3A_0 = arith.addi %arg0, %add3A : i32
    %c0_i32 = arith.constant 0 : i32
    %c0_i32_1 = arith.constant 0 : i32
    %c0_i32_2 = arith.constant 0 : i32
    return %add3A_0, %c0_i32, %c0_i32_1 : i32, i32, i32
  }
}

module attributes {stable_mosaic.version = 14 : i64} {
  func.func @_final_kernel(%arg0: i32, %arg1: memref<1x96x1024xf32, #tpu.memory_space<vmem>>, %arg2: memref<1x96x1024xf32, #tpu.memory_space<vmem>>, %arg3: memref<1x1x1024xf32, #tpu.memory_space<vmem>>, %arg4: memref<96x96xf32, #tpu.memory_space<vmem>>, %arg5: memref<96x1xf32, #tpu.memory_space<vmem>>, %arg6: memref<96x1xf32, #tpu.memory_space<vmem>>, %arg7: memref<96x1xf32, #tpu.memory_space<vmem>>, %arg8: memref<1x96x1024xf32, #tpu.memory_space<vmem>>) attributes {dimension_semantics = [#tpu.dimension_semantics<arbitrary>], iteration_bounds = array<i64: 16>, scalar_prefetch = 0 : i64, scratch_operands = 0 : i64, tpu.core_type = #tpu.core_type<tc>, window_params = [{transform_indices = @transform_0, window_bounds = array<i64: 1, 96, 1024>}, {transform_indices = @transform_1, window_bounds = array<i64: 1, 96, 1024>}, {transform_indices = @transform_2, window_bounds = array<i64: 1, 1, 1024>}, {pipeline_mode = #tpu.pipeline_mode<synchronous>, transform_indices = @transform_3, window_bounds = array<i64: 96, 96>}, {pipeline_mode = #tpu.pipeline_mode<synchronous>, transform_indices = @transform_4, window_bounds = array<i64: 96, 1>}, {pipeline_mode = #tpu.pipeline_mode<synchronous>, transform_indices = @transform_5, window_bounds = array<i64: 96, 1>}, {pipeline_mode = #tpu.pipeline_mode<synchronous>, transform_indices = @transform_6, window_bounds = array<i64: 96, 1>}, {transform_indices = @transform_7, window_bounds = array<i64: 1, 96, 1024>}]} {
    %get3A = arith.constant 0 : index
    %get3A_0 = arith.constant 0 : index
    %get3A_1 = arith.constant 0 : index
    %get3A_2 = vector.load %arg2[%get3A, %get3A_0, %get3A_1] : memref<1x96x1024xf32, #tpu.memory_space<vmem>>, vector<1x96x1024xf32>
    %get3A_3 = vector.shape_cast %get3A_2 : vector<1x96x1024xf32> to vector<96x1024xf32>
    %mul3A = arith.mulf %get3A_3, %get3A_3 : vector<96x1024xf32>
    %reduce_sum3A = arith.constant dense<0.000000e+00> : vector<1024xf32>
    %reduce_sum3A_4 = vector.multi_reduction <add>, %mul3A, %reduce_sum3A [0] : vector<96x1024xf32> to vector<1024xf32>
    %broadcast_in_dim3A = vector.shape_cast %reduce_sum3A_4 : vector<1024xf32> to vector<1x1024xf32>
    %dot_general3A = arith.constant dense<0.000000e+00> : vector<1024x1024xf32>
    %dot_general3A_5 = tpu.matmul %get3A_3, %get3A_3, %dot_general3A {dimension_numbers = #tpu.dot_dimension_numbers<[0], [0], [1], [1], [0, 1, 1, 1], [], []>, transpose_lhs_hint = false} : vector<96x1024xf32>, vector<96x1024xf32>, vector<1024x1024xf32> -> vector<1024x1024xf32>
    %transpose3A = tpu.transpose %broadcast_in_dim3A, [1, 0] : vector<1x1024xf32> -> vector<1024x1xf32>
    %add3A = vector.broadcast %transpose3A : vector<1024x1xf32> to vector<1024x1024xf32>
    %add3A_6 = vector.broadcast %broadcast_in_dim3A : vector<1x1024xf32> to vector<1024x1024xf32>
    %add3A_7 = arith.addf %add3A, %add3A_6 : vector<1024x1024xf32>
    %mul3A_8 = arith.constant 2.000000e+00 : f32
    %mul3A_9 = vector.broadcast %mul3A_8 : f32 to vector<1024x1024xf32>
    %mul3A_10 = arith.mulf %mul3A_9, %dot_general3A_5 : vector<1024x1024xf32>
    %sub3A = arith.subf %add3A_7, %mul3A_10 : vector<1024x1024xf32>
    %iota3A = tpu.iota {dimensions = array<i32: 0>} : vector<1024x1024xi32>
    %iota3A_11 = tpu.iota {dimensions = array<i32: 1>} : vector<1024x1024xi32>
    %ne3A = arith.cmpi ne, %iota3A, %iota3A_11 : vector<1024x1024xi32>
    %jit3A = arith.constant 1.000000e+10 : f32
    %broadcast_in_dim3A_12 = vector.broadcast %jit3A : f32 to vector<1024x1024xf32>
    %select_n3A = arith.select %ne3A, %sub3A, %broadcast_in_dim3A_12 : vector<1024x1024xi1>, vector<1024x1024xf32>
    %get3A_13 = arith.constant 0 : index
    %get3A_14 = arith.constant 0 : index
    %get3A_15 = arith.constant 0 : index
    %get3A_16 = vector.load %arg3[%get3A_13, %get3A_14, %get3A_15] : memref<1x1x1024xf32, #tpu.memory_space<vmem>>, vector<1x1x1024xf32>
    %get3A_17 = vector.shape_cast %get3A_16 : vector<1x1x1024xf32> to vector<1x1024xf32>
    %le3A = vector.broadcast %get3A_17 : vector<1x1024xf32> to vector<1024x1024xf32>
    %le3A_18 = arith.cmpf ole, %select_n3A, %le3A : vector<1024x1024xf32>
    %jit3A_19 = arith.constant 1.000000e+00 : f32
    %jit3A_20 = arith.constant 0.000000e+00 : f32
    %broadcast_in_dim3A_21 = vector.broadcast %jit3A_19 : f32 to vector<1024x1024xf32>
    %broadcast_in_dim3A_22 = vector.broadcast %jit3A_20 : f32 to vector<1024x1024xf32>
    %select_n3A_23 = arith.select %le3A_18, %broadcast_in_dim3A_21, %broadcast_in_dim3A_22 : vector<1024x1024xi1>, vector<1024x1024xf32>
    %get3A_24 = arith.constant 0 : index
    %get3A_25 = arith.constant 0 : index
    %get3A_26 = vector.load %arg4[%get3A_24, %get3A_25] : memref<96x96xf32, #tpu.memory_space<vmem>>, vector<96x96xf32>
    %dot_general3A_27 = arith.constant dense<0.000000e+00> : vector<96x1024xf32>
    %dot_general3A_28 = tpu.matmul %get3A_26, %get3A_3, %dot_general3A_27 {dimension_numbers = #tpu.dot_dimension_numbers<[0], [0], [1], [1], [0, 1, 1, 1], [], []>, transpose_lhs_hint = false} : vector<96x96xf32>, vector<96x1024xf32>, vector<96x1024xf32> -> vector<96x1024xf32>
    %dot_general3A_29 = arith.constant dense<0.000000e+00> : vector<96x1024xf32>
    %dot_general3A_30 = tpu.matmul %dot_general3A_28, %select_n3A_23, %dot_general3A_29 {dimension_numbers = #tpu.dot_dimension_numbers<[1], [0], [0], [1], [0, 0, 1, 1], [], []>, transpose_lhs_hint = false} : vector<96x1024xf32>, vector<1024x1024xf32>, vector<96x1024xf32> -> vector<96x1024xf32>
    %add3A_31 = arith.addf %dot_general3A_30, %dot_general3A_28 : vector<96x1024xf32>
    %mul3A_32 = arith.constant 0.0588235296 : f32
    %mul3A_33 = vector.broadcast %mul3A_32 : f32 to vector<96x1024xf32>
    %mul3A_34 = arith.mulf %add3A_31, %mul3A_33 : vector<96x1024xf32>
    %get3A_35 = arith.constant 0 : index
    %get3A_36 = arith.constant 0 : index
    %get3A_37 = vector.load %arg5[%get3A_35, %get3A_36] : memref<96x1xf32, #tpu.memory_space<vmem>>, vector<96x1xf32>
    %add3A_38 = vector.broadcast %get3A_37 : vector<96x1xf32> to vector<96x1024xf32>
    %add3A_39 = arith.addf %mul3A_34, %add3A_38 : vector<96x1024xf32>
    %get3A_40 = arith.constant 0 : index
    %get3A_41 = arith.constant 0 : index
    %get3A_42 = vector.load %arg6[%get3A_40, %get3A_41] : memref<96x1xf32, #tpu.memory_space<vmem>>, vector<96x1xf32>
    %mul3A_43 = arith.constant 0.999994993 : f32
    %mul3A_44 = vector.broadcast %mul3A_43 : f32 to vector<96x1xf32>
    %mul3A_45 = arith.mulf %get3A_42, %mul3A_44 : vector<96x1xf32>
    %mul3A_46 = vector.broadcast %mul3A_45 : vector<96x1xf32> to vector<96x1024xf32>
    %mul3A_47 = arith.mulf %add3A_39, %mul3A_46 : vector<96x1024xf32>
    %get3A_48 = arith.constant 0 : index
    %get3A_49 = arith.constant 0 : index
    %get3A_50 = vector.load %arg7[%get3A_48, %get3A_49] : memref<96x1xf32, #tpu.memory_space<vmem>>, vector<96x1xf32>
    %add3A_51 = vector.broadcast %get3A_50 : vector<96x1xf32> to vector<96x1024xf32>
    %add3A_52 = arith.addf %mul3A_47, %add3A_51 : vector<96x1024xf32>
    %mul3A_53 = arith.constant 5.000000e-01 : f32
    %mul3A_54 = vector.broadcast %mul3A_53 : f32 to vector<96x1024xf32>
    %mul3A_55 = arith.mulf %add3A_52, %mul3A_54 : vector<96x1024xf32>
    %mul3A_56 = arith.constant 0.707106769 : f32
    %mul3A_57 = vector.broadcast %mul3A_56 : f32 to vector<96x1024xf32>
    %mul3A_58 = arith.mulf %add3A_52, %mul3A_57 : vector<96x1024xf32>
    %erf3A = math.erf %mul3A_58 : vector<96x1024xf32>
    %add3A_59 = arith.constant 1.000000e+00 : f32
    %add3A_60 = vector.broadcast %add3A_59 : f32 to vector<96x1024xf32>
    %add3A_61 = arith.addf %add3A_60, %erf3A : vector<96x1024xf32>
    %mul3A_62 = arith.mulf %mul3A_55, %add3A_61 : vector<96x1024xf32>
    %add3A_63 = arith.addf %mul3A_62, %get3A_3 : vector<96x1024xf32>
    %swap3A = arith.constant 0 : index
    %swap3A_64 = arith.constant 0 : index
    %swap3A_65 = arith.constant 0 : index
    %swap3A_66 = vector.load %arg8[%swap3A, %swap3A_64, %swap3A_65] : memref<1x96x1024xf32, #tpu.memory_space<vmem>>, vector<1x96x1024xf32>
    %swap3A_67 = vector.shape_cast %swap3A_66 : vector<1x96x1024xf32> to vector<96x1024xf32>
    %swap3A_68 = vector.shape_cast %add3A_63 : vector<96x1024xf32> to vector<1x96x1024xf32>
    tpu.vector_store %arg8[%swap3A, %swap3A_64, %swap3A_65], %swap3A_68 {strides = array<i32>} : memref<1x96x1024xf32, #tpu.memory_space<vmem>>, vector<1x96x1024xf32>,
    return
  }
  func.func @transform_0(%arg0: i32) -> (i32, i32, i32) {
    %c0_i32 = arith.constant 0 : i32
    %c0_i32_0 = arith.constant 0 : i32
    %c0_i32_1 = arith.constant 0 : i32
    return %arg0, %c0_i32, %c0_i32_0 : i32, i32, i32
  }
  func.func @transform_1(%arg0: i32) -> (i32, i32, i32) {
    %c0_i32 = arith.constant 0 : i32
    %c0_i32_0 = arith.constant 0 : i32
    %c0_i32_1 = arith.constant 0 : i32
    return %arg0, %c0_i32, %c0_i32_0 : i32, i32, i32
  }
  func.func @transform_2(%arg0: i32) -> (i32, i32, i32) {
    %c0_i32 = arith.constant 0 : i32
    %c0_i32_0 = arith.constant 0 : i32
    %c0_i32_1 = arith.constant 0 : i32
    return %arg0, %c0_i32, %c0_i32_0 : i32, i32, i32
  }
  func.func @transform_3(%arg0: i32) -> (i32, i32) {
    %c0_i32 = arith.constant 0 : i32
    %c0_i32_0 = arith.constant 0 : i32
    %c0_i32_1 = arith.constant 0 : i32
    return %c0_i32, %c0_i32_0 : i32, i32
  }
  func.func @transform_4(%arg0: i32) -> (i32, i32) {
    %c0_i32 = arith.constant 0 : i32
    %c0_i32_0 = arith.constant 0 : i32
    %c0_i32_1 = arith.constant 0 : i32
    return %c0_i32, %c0_i32_0 : i32, i32
  }
  func.func @transform_5(%arg0: i32) -> (i32, i32) {
    %c0_i32 = arith.constant 0 : i32
    %c0_i32_0 = arith.constant 0 : i32
    %c0_i32_1 = arith.constant 0 : i32
    return %c0_i32, %c0_i32_0 : i32, i32
  }
  func.func @transform_6(%arg0: i32) -> (i32, i32) {
    %c0_i32 = arith.constant 0 : i32
    %c0_i32_0 = arith.constant 0 : i32
    %c0_i32_1 = arith.constant 0 : i32
    return %c0_i32, %c0_i32_0 : i32, i32
  }
  func.func @transform_7(%arg0: i32) -> (i32, i32, i32) {
    %c0_i32 = arith.constant 0 : i32
    %c0_i32_0 = arith.constant 0 : i32
    %c0_i32_1 = arith.constant 0 : i32
    return %arg0, %c0_i32, %c0_i32_0 : i32, i32, i32
  }
}

</mosaic_0001>

<sc_bundles>
// kernel: kernel.6.cloned.1.call-start
scs
__scs_entry_jumppad:
0x0: {  	(pc) =	sbr.rel $0x88, $3  }
0x1: {  	(tag) =	ssettag $0x0;
	lr =	simm.s32 $0x1  }
0x2: {  	[smem:$0x3F9C] =	sst lr;
	_ =	strace $0xD0000000  }
0x3: {  	_ = 	snop  }
0x4: {  	_ = 	snop  }
0x5: {  	_ = 	snop  }
0x6: {  	_ = 	snop  }
0x7: {  	_ = 	snop  }
__scs_overlays_trampoline_lowered:
0x8: {  	[smem:$0x3FAB] =	sst s0  }
0x9: {  	[smem:$0x3FAC] =	sst s1  }
0xa: {  	[smem:$0x3FAD] =	sst s2  }
0xb: {  	[smem:$0x3FAE] =	sst s3  }
0xc: {  	[smem:$0x3FAF] =	sst s4  }
0xd: {  	[smem:$0x3FB0] =	sst s5  }
0xe: {  	[smem:$0x3FB1] =	sst s6  }
0xf: {  	[smem:$0x3FB2] =	sst s7  }
0x10: {  	[smem:$0x3FB3] =	sst s8  }
0x11: {  	[smem:$0x3FB4] =	sst s9;
	s0 =	simm.s32 @!p0 $0x0  }
0x12: {  	s1 =	sld [smem:$0x3F9A];
	s0 =	simm.s32 @p0 $0x1  }
0x13: {  	[smem:$0x3FB5] =	sst s0;
	s0 =	simm.s32 @!p1 $0x0  }
0x14: {  	s2 =	sld [smem:$0x3F99];
	s0 =	simm.s32 @p1 $0x1  }
0x15: {  	[smem:$0x3FB6] =	sst s0;
	s0 =	simm.s32 @!p2 $0x0  }
0x16: {  	s3 =	sld [smem:$0x3FDB];
	s0 =	simm.s32 @p2 $0x1  }
0x17: {  	s4 =	simm.s32 $0x1BF5;
	[smem:$0x3FB8] =	sst s0  }
0x18: {  	s0 =	sld [smem:$0x3F9B];
	_ =	swait.ge [sflag:s4], $0x0  }
0x19: {  	s7 =	sld [smem:$0x3F9C]  }
0x1a: {  	s8 =	sadd.s32 $0xFFFFE003, lr  }
0x1b: {  	s9 =	sadd.s32 $0xFFFFFEF7, lr;
	s5 =	simm.s32 $0xFFFFFFFF;
	p2 =	slt.u32 s8, $0xFFFFF086  }
0x1c: {  	p1 =	slt.u32 s9, $0xF7A;
	s5 =	simm.s32 @!p2 $0x0  }
0x1d: {  	s5 =	simm.s32 @p1 $0x1;
	p0 =	seq.s32 s7, s2  }
0x1e: {  	s7 =	smul.u32 @!p0 $0xF7A, s2;
	p2 =	seq.s32 @!p0 s5, $0x0  }
0x1f: {  	s9 =	smul.u32 $0xF7A, s1;
	s8 =	simm.s32 @!p0 $0x1BF5;
	p2 =	por !p2, p0  }
0x20: {  	[sflag:s8] =	ssyncset.s32 @!p0 $0xFFFFF086;
	s6 =	sadd.s32 @!p0 s3, s7;
	s7 =	simm.s32 @!p0 $0x108  }
0x21: {  	s3 =	sadd.s32 s3, s9;
	s6 =	sadd.s32 @!p0 $0x88, s6;
	s7 =	simm.s32 @p2 $0x1082  }
0x22: {  	[simem:s7], [sflag:s8] =	dma.local @!p0 [hbm:s6], $0xF7A  }
0x23: {  	s9 =	sor.u32 $0xD0000000, s2;
	s6 =	simm.s32 $0x108;
	_ =	swait.ge @!p0 [sflag:s8], $0x0  }
0x24: {  	s3 =	sadd.s32 $0x88, s3;
	s6 =	simm.s32 @!p1 $0x1082;
	[sflag:s4] =	ssyncset.s32 $0xFFFFF086  }
0x25: {  	[simem:s6], [sflag:s4] =	dma.local [hbm:s3], $0xF7A  }
0x26: {  	[smem:$0x3F9C] =	sst s1;
	(tag) =	ssettag s2;
	_ =	strace s9  }
0x27: {  	s1 =	sld [smem:$0x3FAC]  }
0x28: {  	s2 =	sld [smem:$0x3FAD]  }
0x29: {  	s4 =	sld [smem:$0x3FAF]  }
0x2a: {  	p0 =	seq.s32 s5, $0x0;
	s5 =	sld [smem:$0x3FB0]  }
0x2b: {  	s6 =	sld [smem:$0x3FB1]  }
0x2c: {  	s7 =	sld [smem:$0x3FB2]  }
0x2d: {  	s3 =	simm.s32 $0x108;
	s8 =	sld [smem:$0x3FB3]  }
0x2e: {  	s3 =	simm.s32 @!p0 $0x1082;
	s9 =	sld [smem:$0x3FB4]  }
0x2f: {  	lr =	sadd.s32 s0, s3;
	s0 =	sld [smem:$0x3FAB]  }
0x30: {  	s3 =	sld [smem:$0x3FAE]  }
0x31: {  	[smem:$0x3FB7] =	sst s10  }
0x32: {  	s10 =	sld [smem:$0x3FB5];
	_ =	sdelay $0x3  }
0x33: {  	p0 =	seq.s32 s10, $0x1;
	s10 =	sld [smem:$0x3FB7];
	_ =	sdelay $0x3  }
0x34: {  	[smem:$0x3FB7] =	sst s10  }
0x35: {  	s10 =	sld [smem:$0x3FB6];
	_ =	sdelay $0x3  }
0x36: {  	p1 =	seq.s32 s10, $0x1;
	s10 =	sld [smem:$0x3FB7];
	_ =	sdelay $0x3  }
0x37: {  	[smem:$0x3FB7] =	sst s10  }
0x38: {  	s10 =	sld [smem:$0x3FB8]  }
0x39: {  	_ = 	snop;
	(pc) =	sbr.ind lr, $3  }
0x3a: {  	_ = 	snop  }
0x3b: {  	_ = 	snop  }
0x3c: {  	p2 =	seq.s32 s10, $0x1;
	s10 =	sld [smem:$0x3FB7]  }
0x3d: {  	_ =	shalt  }
0x3e: {  	_ =	shalt  }
0x3f: {  	_ =	shalt  }
0x40: {  	_ =	shalt  }
0x41: {  	_ =	shalt  }
0x42: {  	_ =	shalt  }
0x43: {  	_ =	shalt  }
0x44: {  	_ =	shalt  }
0x45: {  	_ =	shalt  }
0x46: {  	_ =	shalt  }
0x47: {  	_ =	shalt  }
0x48: {  	_ =	shalt  }
0x49: {  	_ =	shalt  }
0x4a: {  	_ =	shalt  }
0x4b: {  	_ =	shalt  }
0x4c: {  	_ =	shalt  }
0x4d: {  	_ =	shalt  }
0x4e: {  	_ =	shalt  }
0x4f: {  	_ =	shalt  }
0x50: {  	_ =	shalt  }
0x51: {  	_ =	shalt  }
0x52: {  	_ =	shalt  }
0x53: {  	_ =	shalt  }
0x54: {  	_ =	shalt  }
0x55: {  	_ =	shalt  }
0x56: {  	_ =	shalt  }
0x57: {  	_ =	shalt  }
0x58: {  	_ =	shalt  }
0x59: {  	_ =	shalt  }
0x5a: {  	_ =	shalt  }
0x5b: {  	_ =	shalt  }
0x5c: {  	_ =	shalt  }
0x5d: {  	_ =	shalt  }
0x5e: {  	_ =	shalt  }
0x5f: {  	_ =	shalt  }
0x60: {  	_ =	shalt  }
0x61: {  	_ =	shalt  }
0x62: {  	_ =	shalt  }
0x63: {  	_ =	shalt  }
0x64: {  	_ =	shalt  }
0x65: {  	_ =	shalt  }
0x66: {  	_ =	shalt  }
0x67: {  	_ =	shalt  }
0x68: {  	_ =	shalt  }
0x69: {  	_ =	shalt  }
0x6a: {  	_ =	shalt  }
0x6b: {  	_ =	shalt  }
0x6c: {  	_ =	shalt  }
0x6d: {  	_ =	shalt  }
0x6e: {  	_ =	shalt  }
0x6f: {  	_ =	shalt  }
0x70: {  	_ =	shalt  }
0x71: {  	_ =	shalt  }
0x72: {  	_ =	shalt  }
0x73: {  	_ =	shalt  }
0x74: {  	_ =	shalt  }
0x75: {  	_ =	shalt  }
0x76: {  	_ =	shalt  }
0x77: {  	_ =	shalt  }
0x78: {  	_ =	shalt  }
0x79: {  	_ =	shalt  }
0x7a: {  	_ =	shalt  }
0x7b: {  	_ =	shalt  }
0x7c: {  	_ =	shalt  }
0x7d: {  	_ =	shalt  }
0x7e: {  	_ =	shalt  }
0x7f: {  	_ =	shalt  }
0x80: {  	_ =	shalt  }
0x81: {  	_ =	shalt  }
0x82: {  	_ =	shalt  }
0x83: {  	_ =	shalt  }
0x84: {  	_ =	shalt  }
0x85: {  	_ =	shalt  }
0x86: {  	_ =	shalt  }
0x87: {  	_ =	shalt  }
.Lfunc_end0:
.L_simem_size_0:
called_computation_lowered:
.L_overlay_start_0:
0x88: {  	s2 =	sld [smem:$0x3FD9]  }
0x89: {  	s3 =	sld [smem:$0x3FFE];
	_ =	sdelay $0x1  }
0x8a: {  	s1 =	srdreg.scid  }
0x8b: {  	s0 =	sand.u32 $0x1, s1  }
0x8c: {  	s16 =	sshll.u32 s0, $0xA;
	s2 =	sadd.s32 s3, s2  }
0x8d: {  	s2 =	sadd.s32 s2, s16  }
0x8e: {  	[smem:$0x3FC3] =	sst s2  }
0x8f: {  	_ = 	snop  }
0x90: {  	(tm) =	ssettm $0x1  }
0x91: {  	s17 =	sld [smem:$0x3FFB];
	_ =	sdelay $0x3  }
0x92: {  	_ =	strace s17  }
0x93: {  	s2 =	sld [smem:$0x3FFC];
	_ =	sdelay $0x3  }
0x94: {  	_ =	strace s2  }
0x95: {  	s2 =	sld [smem:$0x3FFD];
	_ =	sdelay $0x3  }
0x96: {  	_ =	strace s2  }
0x97: {  	_ =	strace $0x8FFFFFFF  }
0x98: {  	s18 =	sld [smem:$0x3FDB];
	_ =	sdelay $0x1  }
0x99: {  	s19 =	simm.s32 $_scs_section_size  }
0x9a: {  	s4 =	simm.s32 $_size__tile_overlayer_lowered;
	s5 =	simm.s32 $_tile_overlayer_lowered  }
0x9b: {  	s22 =	simm.s32 $0x1BFF;
	s21 =	sshll.u32 s5, $0x1;
	s2 =	sadd.s32 s19, s18  }
0x9c: {  	s6 =	simm.s32 $0x0;
	s20 =	sshll.u32 s4, $0x1;
	s4 =	sadd.s32 s21, s2  }
0x9d: {  	[timem:s6], [sflag:s22] =	dma.local [hbm:s4], s20  }
0x9e: {  	_ =	swait.ge [sflag:s22], s20  }
0x9f: {  	s3 =	ssub.s32 $0x0, s20;
	[sflag:s22] =	ssyncset.done $0x0  }
0xa0: {  	[sflag:s22] =	ssyncadd.s32 s3;
	_ =	sdelay $0x1  }
0xa1: {  	s23 =	simm.s32 $0x1B8B  }
0xa2: {  	_ =	swait.ge [sflag:s23], $0x1  }
0xa3: {  	[sflag:s23] =	ssyncset.done $0x0  }
0xa4: {  	s25 =	simm.s32 $0x1B8E;
	s24 =	sld [smem:$0x3FFE];
	[sflag:s23] =	ssyncadd.s32 $0xFFFFFFFF  }
0xa5: {  	s26 =	simm.s32 $execute0_lowered;
	[smem:$0x3FD2] =	sst s25  }
0xa6: {  	s4 =	sshll.u32 s26, $0x1;
	_ =	strace $0x80000046;
	[dreg:$0x1] =	wrdreg $0xFFFFFFFF  }
0xa7: {  	s28 =	simm.s32 $_size_execute0_lowered;
	s2 =	sadd.s32 s2, s4;
	[dreg:$0x0] =	wrdreg $0x0  }
0xa8: {  	s4 =	sshll.u32 s28, $0x1;
	[dreg:$0x2] =	wrdreg s2  }
0xa9: {  	[dreg:$0x3] =	wrdreg s4  }
0xaa: {  	[dreg:$0x4] =	wrdreg $0xC0  }
0xab: {  	_ =	task [dreg:s6], $0x5FFFF  }
0xac: {  	[dreg:$0x1] =	wrdreg $0xFFFFFFFF  }
0xad: {  	[dreg:$0x0] =	wrdreg $0x60  }
0xae: {  	[dreg:$0x2] =	wrdreg s24  }
0xaf: {  	[dreg:$0x3] =	wrdreg $0x9  }
0xb0: {  	_ =	task.clear_ibuf [dreg:s6], $0x4FFFF;
	_ =	strace $0x90000046  }
0xb1: {  	s29 =	simm.s32 $0x9;
	_ =	strace $0x80000048  }
0xb2: {  	_ =	swait.ge [sflag:s29], $0x1  }
0xb3: {  	[sflag:s29] =	ssyncadd.s32 $0xFFFFFFFF  }
0xb4: {  	_ =	strace $0x90000048  }
0xb5: {  	_ =	sfence  }
0xb6: {  	s30 =	sld [smem:$0x0];
	_ =	sdelay $0x2  }
0xb7: {  	s31 =	sshll.u32 s1, $0xD;
	s1 =	sshrl.u32 s1, $0x2  }
0xb8: {  	s3 =	sand.u32 $0x4000, s31;
	s1 =	sadd.s32 s1, s30  }
0xb9: {  	s0 =	sor.u32 s3, s0;
	s1 =	sshll.u32 s1, $0x11  }
0xba: {  	s0 =	sor.u32 s1, s0  }
0xbb: {  	s0 =	sadd.s32 $0x8F2B, s0  }
0xbc: {  	[sflag:s0] =	ssyncadd.remote.s32 $0x1  }
0xbd: {  	_ =	sfence.sel $0xFFFF  }
0xbe: {  	[dreg:$0x0] =	wrdreg $0xFFFFFFFF;
	(pc) =	sbr.abs _section_cstart, $3  }
0xbf: {  	[dreg:$0x1] =	wrdreg $0xFFFFFFFF  }
0xc0: {  	_ =	task.clear_ibuf [dreg:s6], $0x2FFFF;
	_ =	strace $0x9FFFFFFF  }
0xc1: {  	(tm) =	ssettm $0x7FFFFFFF  }
tec
execute0_lowered:
.L_overlay_start_1:
0x0: {  	(tag) =	ssettag $0x1  }
0x1: {  	s3 =	rddreg [dreg:$0x0];
	s2 =	srdreg.scid  }
0x2: {  	s0 =	rddreg [dreg:$0x1];
	s1 =	stileid.u32  }
0x3: {  	s8 =	simm.s32 $0x4000;
	s9 =	simm.s32 $0x2;
	s10 =	simm.s32 $0x8000  }
0x4: {  	s11 =	simm.s32 $0x3;
	s12 =	simm.s32 $0x0;
	s4 =	sand.u32 $0x1, s2  }
0x5: {  	s2 =	simm.s32 $0x0;
	s5 =	sshll.u32 s1, $0xA;
	s6 =	sshll.u32 s4, $0x9  }
0x6: {  	vm0 =	vmmov $0x1;
	vm2 =	vmmov $0x3;
	vm1 =	vmmov $0x7;
	[smem:$0x7FF] =	sst s2;
	s4 =	ssub.s32 $0x2, s4;
	s5 =	sor.u32 s6, s5  }
0x7: {  	vm3 =	vmmov $0xf;
	vm4 =	vmmov $0x1f;
	vm5 =	vmmov $0x3f;
	_ =	strace $0x80000047;
	s7 =	sshrl.u32 s4, $0x1;
	s6 =	sshll.u32 s5, $0x7  }
0x8: {  	vm6 =	vmmov $0x7f;
	vm8 =	vmmov $0xff;
	vm7 =	vmmov $0x1ff;
	s5 =	sshrl.u32 s5, $0x3;
	s7 =	ssub.s32 s4, s7;
	s6 =	sadd.s32 s6, s3  }
0x9: {  	vm9 =	vmmov $0x3ff;
	vm10 =	vmmov $0x7ff;
	vm11 =	vmmov $0xfff;
	s5 =	sadd.s32 s5, s3;
	s3 =	sadd.s32 $0x1000, s6;
	s4 =	sadd.s32 $0x2000, s6  }
0xa: {  	vm12 =	vmmov $0x1fff;
	vm14 =	vmmov $0x3fff;
	vm13 =	vmmov $0x7fff;
	s5 =	sadd.s32 $0x201000, s5;
	s6 =	smax.u32 s7, $0x1;
	s7 =	simm.s32 $0x1  }
.LBB2_1:
0xb: {  	[tilespmem:s2], [sflag:$0x1] =	stream.linear.gather [hbm4b:s3+s2], $0x4000, $0x38;
	[tilespmem:$0x8200] =	vst v63  }
0xc: {  	s13 =	simm.s32 $0x0  }
.LBB2_2:
0xd: {  	_ =	swait.ge [sflag:s7], $0x4000;
	s14 =	sshllo.u32 s13, $0x1  }
0xe: {  	[sflag:s7] =	ssyncset.done $0x0;
	s15 =	sshll.u32 s14, $0xB  }
0xf: {  	[sflag:s7] =	ssyncadd.s32 $0xFFFFC000;
	s15 =	sadd.s32 s15, s3  }
0x10: {  	[tilespmem:s8], [sflag:$0x2] =	stream.linear.gather [hbm4b:s15+s2], $0x4000, $0x38;
	[tilespmem:$0x8200] =	vst v63  }
0x11: {  	v0 =	vld [tilespmem:$0x0]  }
0x12: {  	v1 =	vld [tilespmem:$0x80]  }
0x13: {  	v2 =	vld [tilespmem:$0x100]  }
0x14: {  	v3 =	vld [tilespmem:$0x180]  }
0x15: {  	v4 =	vld [tilespmem:$0x200]  }
0x16: {  	(xrf1) =	vsort.ascd.msk.f32 $0xffff, v0, v0;
	v0 =	vld [tilespmem:$0x280]  }
0x17: {  	(xrf1) =	vsort.ascd.msk.f32 $0xffff, v1, v1;
	v1 =	vld [tilespmem:$0x300]  }
0x18: {  	(xrf1) =	vsort.ascd.msk.f32 $0xffff, v2, v2;
	v2 =	vld [tilespmem:$0x380]  }
0x19: {  	(xrf1) =	vsort.ascd.msk.f32 $0xffff, v3, v3;
	v3 =	vld [tilespmem:$0x2000]  }
0x1a: {  	(xrf1) =	vsort.ascd.msk.f32 $0xffff, v4, v4;
	v4 =	vld [tilespmem:$0x2080]  }
0x1b: {  	(xrf1) =	vsort.ascd.msk.f32 $0xffff, v0, v0;
	v0 =	vld [tilespmem:$0x2100]  }
0x1c: {  	(xrf1) =	vsort.ascd.msk.f32 $0xffff, v1, v1;
	v1 =	vld [tilespmem:$0x2180]  }
0x1d: {  	(xrf1) =	vsort.ascd.msk.f32 $0xffff, v2, v2;
	v2 =	vld [tilespmem:$0x2200]  }
0x1e: {  	s28 =	simm.s32 $0x10;
	s16 =	simm.s32 $0x80;
	(xrf1) =	vsort.ascd.msk.f32 $0xffff, v3, v3;
	v3 =	vld [tilespmem:$0x2280]  }
0x1f: {  	s17 =	sand.u32 $0x70, s28;
	s18 =	sand.u32 $0x1C00, s16;
	(xrf1) =	vsort.ascd.msk.f32 $0xffff, v4, v4;
	v4 =	vld [tilespmem:$0x2300]  }
0x20: {  	s17 =	sor.u32 s17, s18;
	(xrf1) =	vsort.ascd.msk.f32 $0xffff, v0, v0;
	v0 =	vld [tilespmem:$0x2380]  }
0x21: {  	(xrf1) =	vsort.ascd.msk.f32 $0xffff, v1, v1;
	v1 =	vld [tilespmem:s17+$0x0]  }
0x22: {  	(xrf1) =	vsort.ascd.msk.f32 $0xffff, v2, v2;
	v2 =	vld [tilespmem:s17+$0x80]  }
0x23: {  	(xrf1) =	vsort.ascd.msk.f32 $0xffff, v3, v3  }
0x24: {  	v3 =	vld [tilespmem:s17+$0x100];
	v5, _, _ =	vpop (xrf1);
	(xrf1) =	vsort.ascd.msk.f32 $0xffff, v4, v4  }
0x25: {  	v4 =	vld [tilespmem:s17+$0x180];
	v6, _, _ =	vpop (xrf1);
	(xrf1) =	vsort.ascd.msk.f32 $0xffff, v0, v0  }
0x26: {  	v0 =	vld [tilespmem:s17+$0x200];
	v7, _, _ =	vpop (xrf1);
	(xrf1) =	vsort.dscd.msk.f32 $0xffff, v1, v1  }
0x27: {  	s15 =	sor.u32 s16, s28;
	v8 =	vld [tilespmem:s17+$0x280];
	v1, _, _ =	vpop (xrf1);
	(xrf1) =	vsort.dscd.msk.f32 $0xffff, v2, v2  }
0x28: {  	v9 =	vld [tilespmem:s17+$0x300];
	s15 =	sor.u32 $0x380, s15;
	v2, _, _ =	vpop (xrf1)  }
0x29: {  	v10 =	vld [tilespmem:s15+$0x0];
	(xrf1) =	vsort.dscd.msk.f32 $0xffff, v3, v3;
	v3, _, _ =	vpop (xrf1)  }
0x2a: {  	v11 =	vld [tilespmem:s17+$0x2000];
	(xrf1) =	vsort.dscd.msk.f32 $0xffff, v4, v4;
	v4, _, _ =	vpop (xrf1)  }
0x2b: {  	v12 =	vld [tilespmem:s17+$0x2080];
	(xrf1) =	vsort.dscd.msk.f32 $0xffff, v0, v0;
	v0, _, _ =	vpop (xrf1)  }
0x2c: {  	v13 =	vld [tilespmem:s17+$0x2100];
	(xrf1) =	vsort.dscd.msk.f32 $0xffff, v8, v8;
	v8, _, _ =	vpop (xrf1)  }
0x2d: {  	v14 =	vld [tilespmem:s17+$0x2180];
	(xrf1) =	vsort.dscd.msk.f32 $0xffff, v9, v9;
	v9, _, _ =	vpop (xrf1)  }
0x2e: {  	v15 =	vld [tilespmem:s17+$0x2200];
	(xrf1) =	vsort.dscd.msk.f32 $0xffff, v10, v10;
	v10, _, _ =	vpop (xrf1)  }
0x2f: {  	v16 =	vld [tilespmem:s17+$0x2280];
	(xrf1) =	vsort.dscd.msk.f32 $0xffff, v11, v11;
	v11, _, _ =	vpop (xrf1)  }
0x30: {  	(xrf1) =	vsort.dscd.msk.f32 $0xffff, v12, v12;
	v12, _, _ =	vpop (xrf1)  }
0x31: {  	v17 =	vld [tilespmem:s17+$0x2300];
	(xrf1) =	vsort.dscd.msk.f32 $0xffff, v13, v13;
	v13, _, _ =	vpop (xrf1)  }
0x32: {  	v18 =	vld [tilespmem:s17+$0x2380];
	(xrf1) =	vsort.dscd.msk.f32 $0xffff, v14, v14;
	v14, _, _ =	vpop (xrf1)  }
0x33: {  	(xrf1) =	vsort.dscd.msk.f32 $0xffff, v15, v15;
	v15, _, _ =	vpop (xrf1)  }
0x34: {  	(xrf1) =	vsort.dscd.msk.f32 $0xffff, v16, v16;
	v16, _, _ =	vpop (xrf1)  }
0x35: {  	v5 =	vmin.f32 v5, v16;
	v16, _, _ =	vpop (xrf1)  }
0x36: {  	(xrf1) =	vsort.dscd.msk.f32 $0xffff, v17, v17;
	v6 =	vmin.f32 v6, v16  }
0x37: {  	(xrf1) =	vsort.dscd.msk.f32 $0xffff, v18, v18  }
0x38: {  	(xrf1) =	vsort.ascd.msk.f32 $0xffff, v5, v5;
	v5, _, _ =	vpop (xrf1)  }
0x39: {  	(xrf1) =	vsort.ascd.msk.f32 $0xffff, v6, v6;
	v5 =	vmin.f32 v7, v5;
	v6, _, _ =	vpop (xrf1)  }
0x3a: {  	v1 =	vmin.f32 v1, v6;
	_ =	sdelay $0x1  }
0x3b: {  	(xrf1) =	vsort.ascd.msk.f32 $0xffff, v5, v5;
	v5, _, _ =	vpop (xrf1)  }
0x3c: {  	(xrf1) =	vsort.ascd.msk.f32 $0xffff, v1, v1;
	v2 =	vmin.f32 v2, v5;
	v1, _, _ =	vpop (xrf1)  }
0x3d: {  	v1 =	vmin.f32 v3, v1;
	_ =	sdelay $0x1  }
0x3e: {  	(xrf1) =	vsort.ascd.msk.f32 $0xffff, v2, v2;
	v2, _, _ =	vpop (xrf1)  }
0x3f: {  	(xrf1) =	vsort.ascd.msk.f32 $0xffff, v1, v1;
	v1, _, _ =	vpop (xrf1)  }
0x40: {  	v0 =	vmin.f32 v0, v1  }
0x41: {  	v2 =	vmin.f32 v4, v2;
	v1, _, _ =	vpop (xrf1)  }
0x42: {  	(xrf1) =	vsort.ascd.msk.f32 $0xffff, v2, v2;
	v1 =	vmin.f32 v8, v1  }
0x43: {  	(xrf1) =	vsort.ascd.msk.f32 $0xffff, v0, v0;
	v0, _, _ =	vpop (xrf1)  }
0x44: {  	v0 =	vmin.f32 v9, v0  }
0x45: {  	(xrf1) =	vsort.ascd.msk.f32 $0xffff, v1, v1;
	v1, _, _ =	vpop (xrf1)  }
0x46: {  	v1 =	vmin.f32 v10, v1  }
0x47: {  	(xrf1) =	vsort.ascd.msk.f32 $0xffff, v0, v0;
	v0, _, _ =	vpop (xrf1)  }
0x48: {  	v0 =	vmin.f32 v11, v0  }
0x49: {  	(xrf1) =	vsort.ascd.msk.f32 $0xffff, v1, v1;
	v1, _, _ =	vpop (xrf1)  }
0x4a: {  	s29 =	simm.s32 $0x20;
	s15 =	simm.s32 $0x100;
	v1 =	vmin.f32 v12, v1  }
0x4b: {  	s30 =	sand.u32 $0x70, s29;
	s31 =	sand.u32 $0x1C00, s15;
	(xrf1) =	vsort.ascd.msk.f32 $0xffff, v0, v0;
	v0, _, _ =	vpop (xrf1)  }
0x4c: {  	s17 =	sor.u32 s30, s31;
	v0 =	vmin.f32 v13, v0  }
0x4d: {  	v2 =	vld [tilespmem:s17+$0x0];
	(xrf1) =	vsort.ascd.msk.f32 $0xffff, v1, v1;
	v1, _, _ =	vpop (xrf1)  }
0x4e: {  	v3 =	vld [tilespmem:s17+$0x80];
	v1 =	vmin.f32 v14, v1  }
0x4f: {  	v5 =	vld [tilespmem:s17+$0x100];
	(xrf1) =	vsort.ascd.msk.f32 $0xffff, v0, v0;
	v0, _, _ =	vpop (xrf1)  }
0x50: {  	v6 =	vld [tilespmem:s17+$0x180];
	(xrf1) =	vsort.ascd.msk.f32 $0xffff, v1, v1;
	v4 =	vmin.f32 v15, v0;
	v0, _, _ =	vpop (xrf1)  }
0x51: {  	v7 =	vld [tilespmem:s17+$0x200];
	v1, _, _ =	vpop (xrf1);
	(xrf1) =	vsort.ascd.msk.f32 $0xffff, v4, v4  }
0x52: {  	s16 =	sor.u32 s15, s29;
	v8 =	vld [tilespmem:s17+$0x280];
	(xrf1) =	vsort.dscd.msk.f32 $0xffff, v2, v2;
	v2, _, _ =	vpop (xrf1)  }
0x53: {  	s16 =	sor.u32 $0x380, s16;
	v9 =	vld [tilespmem:s17+$0x300];
	(xrf1) =	vsort.dscd.msk.f32 $0xffff, v3, v3;
	v4, _, _ =	vpop (xrf1)  }
0x54: {  	v3 =	vld [tilespmem:s16+$0x0];
	(xrf1) =	vsort.dscd.msk.f32 $0xffff, v5, v5;
	v5, _, _ =	vpop (xrf1)  }
0x55: {  	v16 =	vld [tilespmem:s17+$0x2000];
	(xrf1) =	vsort.dscd.msk.f32 $0xffff, v6, v6;
	v6, _, _ =	vpop (xrf1)  }
0x56: {  	v11 =	vld [tilespmem:s17+$0x2080];
	(xrf1) =	vsort.dscd.msk.f32 $0xffff, v7, v7;
	v7, _, _ =	vpop (xrf1)  }
0x57: {  	v12 =	vld [tilespmem:s17+$0x2100];
	(xrf1) =	vsort.dscd.msk.f32 $0xffff, v8, v8;
	v8, _, _ =	vpop (xrf1)  }
0x58: {  	v13 =	vld [tilespmem:s17+$0x2180];
	(xrf1) =	vsort.dscd.msk.f32 $0xffff, v9, v9;
	v9, _, _ =	vpop (xrf1)  }
0x59: {  	v14 =	vld [tilespmem:s17+$0x2200];
	(xrf1) =	vsort.dscd.msk.f32 $0xffff, v3, v3;
	v10, _, _ =	vpop (xrf1)  }
0x5a: {  	v15 =	vld [tilespmem:s17+$0x2280];
	s16 =	simm.s32 $0x30;
	(xrf1) =	vsort.dscd.msk.f32 $0xffff, v16, v16;
	v3, _, _ =	vpop (xrf1)  }
.LBB2_3:
0x5b: {  	p0 =	sne.s32 s16, $0x3F0;
	v16 =	vld [tilespmem:s17+$0x2300];
	(xrf1) =	vsort.dscd.msk.f32 $0xffff, v11, v11;
	v11, _, _ =	vpop (xrf1)  }
0x5c: {  	v17 =	vld [tilespmem:s17+$0x2380];
	(xrf1) =	vsort.dscd.msk.f32 $0xffff, v12, v12;
	v12, _, _ =	vpop (xrf1)  }
0x5d: {  	(xrf1) =	vsort.dscd.msk.f32 $0xffff, v13, v13;
	v13, _, _ =	vpop (xrf1)  }
0x5e: {  	(xrf1) =	vsort.dscd.msk.f32 $0xffff, v14, v14;
	v14, _, _ =	vpop (xrf1)  }
0x5f: {  	(xrf1) =	vsort.dscd.msk.f32 $0xffff, v15, v15;
	v15, _, _ =	vpop (xrf1)  }
0x60: {  	v18, _, _ =	vpop (xrf1);
	(xrf1) =	vsort.dscd.msk.f32 $0xffff, v16, v16  }
0x61: {  	v18 =	vmin.f32 v0, v18;
	v16, _, _ =	vpop (xrf1);
	(xrf1) =	vsort.dscd.msk.f32 $0xffff, v17, v17  }
0x62: {  	v16 =	vmin.f32 v1, v16;
	(xrf1) =	vsort.ascd.msk.f32 $0xffff, v18, v18;
	v0, _, _ =	vpop (xrf1)  }
0x63: {  	v2 =	vmin.f32 v2, v0;
	(xrf1) =	vsort.ascd.msk.f32 $0xffff, v16, v16;
	v1, _, _ =	vpop (xrf1)  }
0x64: {  	v4 =	vmin.f32 v4, v1;
	(xrf1) =	vsort.ascd.msk.f32 $0xffff, v2, v2;
	v0, _, _ =	vpop (xrf1)  }
0x65: {  	v2 =	vmin.f32 v5, v0;
	(xrf1) =	vsort.ascd.msk.f32 $0xffff, v4, v4;
	v1, _, _ =	vpop (xrf1)  }
0x66: {  	v4 =	vmin.f32 v6, v1;
	(xrf1) =	vsort.ascd.msk.f32 $0xffff, v2, v2;
	v0, _, _ =	vpop (xrf1)  }
0x67: {  	v2 =	vmin.f32 v7, v0;
	(xrf1) =	vsort.ascd.msk.f32 $0xffff, v4, v4;
	v1, _, _ =	vpop (xrf1)  }
0x68: {  	v4 =	vmin.f32 v8, v1;
	(xrf1) =	vsort.ascd.msk.f32 $0xffff, v2, v2;
	v0, _, _ =	vpop (xrf1)  }
0x69: {  	v2 =	vmin.f32 v9, v0;
	(xrf1) =	vsort.ascd.msk.f32 $0xffff, v4, v4;
	v1, _, _ =	vpop (xrf1)  }
0x6a: {  	s15 =	sadd.s32 $0x80, s15;
	v4 =	vmin.f32 v10, v1;
	(xrf1) =	vsort.ascd.msk.f32 $0xffff, v2, v2;
	v0, _, _ =	vpop (xrf1)  }
0x6b: {  	s17 =	sand.u32 $0x70, s16;
	s18 =	sand.u32 $0x1C00, s15;
	v2 =	vmin.f32 v3, v0;
	(xrf1) =	vsort.ascd.msk.f32 $0xffff, v4, v4;
	v1, _, _ =	vpop (xrf1)  }
0x6c: {  	s17 =	sor.u32 s17, s18;
	v3 =	vmin.f32 v11, v1;
	(xrf1) =	vsort.ascd.msk.f32 $0xffff, v2, v2;
	v0, _, _ =	vpop (xrf1)  }
0x6d: {  	v2 =	vld [tilespmem:s17+$0x0];
	v4 =	vmin.f32 v12, v0;
	(xrf1) =	vsort.ascd.msk.f32 $0xffff, v3, v3;
	v1, _, _ =	vpop (xrf1)  }
0x6e: {  	v3 =	vld [tilespmem:s17+$0x80];
	v1 =	vmin.f32 v13, v1;
	(xrf1) =	vsort.ascd.msk.f32 $0xffff, v4, v4;
	v0, _, _ =	vpop (xrf1)  }
0x6f: {  	v5 =	vld [tilespmem:s17+$0x100];
	v4 =	vmin.f32 v14, v0;
	(xrf1) =	vsort.ascd.msk.f32 $0xffff, v1, v1;
	v0, _, _ =	vpop (xrf1)  }
0x70: {  	v6 =	vld [tilespmem:s17+$0x180];
	v7 =	vmin.f32 v15, v0;
	v0, _, _ =	vpop (xrf1);
	(xrf1) =	vsort.ascd.msk.f32 $0xffff, v4, v4  }
0x71: {  	v8 =	vld [tilespmem:s17+$0x200];
	v1, _, _ =	vpop (xrf1);
	(xrf1) =	vsort.ascd.msk.f32 $0xffff, v7, v7  }
0x72: {  	s18 =	sor.u32 s15, s16;
	v9 =	vld [tilespmem:s17+$0x280];
	(xrf1) =	vsort.dscd.msk.f32 $0xffff, v2, v2;
	v2, _, _ =	vpop (xrf1)  }
0x73: {  	s18 =	sor.u32 $0x380, s18;
	v10 =	vld [tilespmem:s17+$0x300];
	(xrf1) =	vsort.dscd.msk.f32 $0xffff, v3, v3;
	v4, _, _ =	vpop (xrf1)  }
0x74: {  	v3 =	vld [tilespmem:s18+$0x0];
	(xrf1) =	vsort.dscd.msk.f32 $0xffff, v5, v5;
	v5, _, _ =	vpop (xrf1)  }
0x75: {  	v16 =	vld [tilespmem:s17+$0x2000];
	(xrf1) =	vsort.dscd.msk.f32 $0xffff, v6, v6;
	v6, _, _ =	vpop (xrf1)  }
.Ltmp0:
0x76: {  	v11 =	vld [tilespmem:s17+$0x2080];
	(xrf1) =	vsort.dscd.msk.f32 $0xffff, v8, v8;
	v7, _, _ =	vpop (xrf1);
	(pc) =	sbr.rel @p0 .LBB2_3-.Ltmp0, $4  }
0x77: {  	v12 =	vld [tilespmem:s17+$0x2100];
	(xrf1) =	vsort.dscd.msk.f32 $0xffff, v9, v9;
	v8, _, _ =	vpop (xrf1)  }
0x78: {  	v13 =	vld [tilespmem:s17+$0x2180];
	(xrf1) =	vsort.dscd.msk.f32 $0xffff, v10, v10;
	v9, _, _ =	vpop (xrf1)  }
0x79: {  	v14 =	vld [tilespmem:s17+$0x2200];
	(xrf1) =	vsort.dscd.msk.f32 $0xffff, v3, v3;
	v10, _, _ =	vpop (xrf1)  }
0x7a: {  	s16 =	sadd.s32 $0x10, s16;
	v15 =	vld [tilespmem:s17+$0x2280];
	(xrf1) =	vsort.dscd.msk.f32 $0xffff, v16, v16;
	v3, _, _ =	vpop (xrf1)  }
0x7b: {  	(xrf1) =	vsort.dscd.msk.f32 $0xffff, v11, v11;
	v11, _, _ =	vpop (xrf1)  }
0x7c: {  	(xrf1) =	vsort.dscd.msk.f32 $0xffff, v12, v12;
	v12, _, _ =	vpop (xrf1)  }
0x7d: {  	v16 =	vld [tilespmem:s17+$0x2300];
	(xrf1) =	vsort.dscd.msk.f32 $0xffff, v13, v13;
	v13, _, _ =	vpop (xrf1)  }
0x7e: {  	v17 =	vld [tilespmem:s17+$0x2380];
	(xrf1) =	vsort.dscd.msk.f32 $0xffff, v14, v14;
	v14, _, _ =	vpop (xrf1)  }
0x7f: {  	(xrf1) =	vsort.dscd.msk.f32 $0xffff, v15, v15;
	v15, _, _ =	vpop (xrf1)  }
0x80: {  	v18, _, _ =	vpop (xrf1)  }
0x81: {  	v0 =	vmin.f32 v0, v18  }
0x82: {  	(xrf1) =	vsort.dscd.msk.f32 $0xffff, v16, v16;
	v16, _, _ =	vpop (xrf1)  }
0x83: {  	(xrf1) =	vsort.dscd.msk.f32 $0xffff, v17, v17;
	v1 =	vmin.f32 v1, v16  }
0x84: {  	(xrf1) =	vsort.ascd.msk.f32 $0xffff, v0, v0;
	v0, _, _ =	vpop (xrf1)  }
0x85: {  	v0 =	vmin.f32 v2, v0  }
0x86: {  	(xrf1) =	vsort.ascd.msk.f32 $0xffff, v1, v1;
	v1, _, _ =	vpop (xrf1)  }
0x87: {  	v1 =	vmin.f32 v4, v1  }
0x88: {  	(xrf1) =	vsort.ascd.msk.f32 $0xffff, v0, v0;
	v0, _, _ =	vpop (xrf1)  }
0x89: {  	v0 =	vmin.f32 v5, v0  }
0x8a: {  	(xrf1) =	vsort.ascd.msk.f32 $0xffff, v1, v1;
	v1, _, _ =	vpop (xrf1)  }
0x8b: {  	v1 =	vmin.f32 v6, v1  }
0x8c: {  	(xrf1) =	vsort.ascd.msk.f32 $0xffff, v0, v0;
	v0, _, _ =	vpop (xrf1)  }
0x8d: {  	v0 =	vmin.f32 v7, v0  }
0x8e: {  	(xrf1) =	vsort.ascd.msk.f32 $0xffff, v1, v1;
	v1, _, _ =	vpop (xrf1)  }
0x8f: {  	v1 =	vmin.f32 v8, v1  }
0x90: {  	(xrf1) =	vsort.ascd.msk.f32 $0xffff, v0, v0;
	v0, _, _ =	vpop (xrf1)  }
0x91: {  	v0 =	vmin.f32 v9, v0  }
0x92: {  	(xrf1) =	vsort.ascd.msk.f32 $0xffff, v1, v1;
	v1, _, _ =	vpop (xrf1)  }
0x93: {  	v1 =	vmin.f32 v10, v1  }
0x94: {  	(xrf1) =	vsort.ascd.msk.f32 $0xffff, v0, v0;
	v0, _, _ =	vpop (xrf1)  }
0x95: {  	v0 =	vmin.f32 v3, v0  }
0x96: {  	(xrf1) =	vsort.ascd.msk.f32 $0xffff, v1, v1;
	v1, _, _ =	vpop (xrf1)  }
0x97: {  	v1 =	vmin.f32 v11, v1  }
0x98: {  	(xrf1) =	vsort.ascd.msk.f32 $0xffff, v0, v0;
	v0, _, _ =	vpop (xrf1)  }
0x99: {  	v0 =	vmin.f32 v12, v0  }
0x9a: {  	(xrf1) =	vsort.ascd.msk.f32 $0xffff, v1, v1;
	v1, _, _ =	vpop (xrf1)  }
0x9b: {  	v1 =	vmin.f32 v13, v1  }
0x9c: {  	(xrf1) =	vsort.ascd.msk.f32 $0xffff, v0, v0;
	v0, _, _ =	vpop (xrf1)  }
0x9d: {  	v2, _, _ =	vpop (xrf1)  }
0x9e: {  	(xrf1) =	vsort.ascd.msk.f32 $0xffff, v1, v1;
	v1, _, _ =	vpop (xrf1)  }
0x9f: {  	v3, _, _ =	vpop (xrf1)  }
0xa0: {  	(xrf0) =	vmax.scan.msk.f32 $0xffff, v1;
	v4, _, _ =	vpop (xrf1)  }
0xa1: {  	v0 =	vmin.f32 v14, v0;
	v5, _, _ =	vpop (xrf1)  }
0xa2: {  	(xrf0) =	vmax.scan.msk.f32 $0xffff, v3;
	v6, _, _ =	vpop (xrf1)  }
0xa3: {  	(xrf0) =	vmax.scan.msk.f32 $0xffff, v4;
	v7, _, _ =	vpop (xrf1)  }
0xa4: {  	(xrf1) =	vsort.ascd.msk.f32 $0xffff, v0, v0;
	v0, _, _ =	vpop (xrf1)  }
0xa5: {  	(xrf0) =	vmax.scan.msk.f32 $0xffff, v5;
	v8, _, _ =	vpop (xrf1)  }
0xa6: {  	v2 =	vmin.f32 v15, v2;
	(xrf0) =	vmax.scan.msk.f32 $0xffff, v6;
	v6, _, _ =	vpop (xrf0)  }
0xa7: {  	v1, _, _ =	vpop (xrf1)  }
0xa8: {  	(xrf1) =	vsort.ascd.msk.f32 $0xffff, v2, v2;
	v9, _, _ =	vpop (xrf0)  }
0xa9: {  	(xrf0) =	vmax.scan.msk.f32 $0xffff, v7;
	v2, _, _ =	vpop (xrf1)  }
0xaa: {  	(xrf0) =	vmax.scan.msk.f32 $0xffff, v0;
	v0, _, _ =	vpop (xrf0)  }
0xab: {  	v3, _, _ =	vpop (xrf1)  }
0xac: {  	(xrf0) =	vmax.scan.msk.f32 $0xffff, v8;
	v8, _, _ =	vpop (xrf0)  }
0xad: {  	v4, _, _ =	vpop (xrf1)  }
0xae: {  	(xrf0) =	vmax.scan.msk.f32 $0xffff, v1;
	v1 =	vbroadcast v6, $0xF;
	v6 =	vbroadcast v9, $0xF;
	v9, _, _ =	vpop (xrf0)  }
0xaf: {  	v5, _, _ =	vpop (xrf1)  }
0xb0: {  	(xrf0) =	vmax.scan.msk.f32 $0xffff, v2;
	v7, _, _ =	vpop (xrf1)  }
0xb1: {  	v0 =	vbroadcast v0, $0xF;
	v2, _, _ =	vpop (xrf0);
	(xrf0) =	vmax.scan.msk.f32 $0xffff, v3  }
0xb2: {  	v1 =	vsel vm0, v1, v6;
	v6 =	vbroadcast v8, $0xF;
	v8, _, _ =	vpop (xrf0)  }
0xb3: {  	v0 =	vsel vm2, v1, v0;
	v1 =	vbroadcast v9, $0xF;
	(xrf0) =	vmax.scan.msk.f32 $0xffff, v4;
	v4, _, _ =	vpop (xrf0)  }
0xb4: {  	v0 =	vsel vm1, v0, v6;
	v2 =	vbroadcast v2, $0xF;
	(xrf0) =	vmax.scan.msk.f32 $0xffff, v5;
	v5, _, _ =	vpop (xrf0)  }
0xb5: {  	v0 =	vsel vm3, v0, v1;
	v1 =	vbroadcast v8, $0xF;
	(xrf0) =	vmax.scan.msk.f32 $0xffff, v7;
	v3, _, _ =	vpop (xrf1)  }
0xb6: {  	v0 =	vsel vm4, v0, v2;
	v2 =	vbroadcast v4, $0xF;
	v4, _, _ =	vpop (xrf0);
	(xrf0) =	vmax.scan.msk.f32 $0xffff, v3  }
0xb7: {  	v0 =	vsel vm5, v0, v1;
	v1 =	vbroadcast v5, $0xF;
	v3, _, _ =	vpop (xrf0)  }
0xb8: {  	v0 =	vsel vm6, v0, v2;
	v2 =	vbroadcast v4, $0xF;
	v5, _, _ =	vpop (xrf1)  }
0xb9: {  	v0 =	vsel vm8, v0, v1;
	v1 =	vbroadcast v3, $0xF;
	v3, _, _ =	vpop (xrf0)  }
0xba: {  	v0 =	vsel vm7, v0, v2;
	v4, _, _ =	vpop (xrf0);
	v2 =	vbroadcast v3, $0xF  }
0xbb: {  	(xrf0) =	vmax.scan.msk.f32 $0xffff, v5;
	v3, _, _ =	vpop (xrf0);
	v0 =	vsel vm9, v0, v1;
	v1 =	vbroadcast v4, $0xF  }
0xbc: {  	v0 =	vsel vm10, v0, v2;
	v4, _, _ =	vpop (xrf0)  }
0xbd: {  	v0 =	vsel vm11, v0, v1;
	v1 =	vbroadcast v4, $0xF  }
0xbe: {  	v2 =	vbroadcast v3, $0xF;
	_ =	sdelay $0x1  }
0xbf: {  	v0 =	vsel vm12, v0, v2  }
0xc0: {  	s15 =	sshll.u32 s13, $0x5;
	v0 =	vsel vm14, v0, v1;
	v1, _, _ =	vpop (xrf0)  }
0xc1: {  	s15 =	sand.u32 $0x3FFFFFE0, s15;
	v0 =	vsel vm13, v0, v1  }
0xc2: {  	[tilespmem:s15+$0x8000] =	vst v0  }
0xc3: {  	p0 =	seq.s32 s13, $0xF;
	_ =	swait.ge [sflag:s9], $0x4000  }
0xc4: {  	s15 =	sshll.u32 @!p0 s13, $0xC;
	[sflag:s9] =	ssyncset.done $0x0  }
0xc5: {  	s16 =	simm.s32 @!p0 $0x0;
	s15 =	sadd.s32 @!p0 s15, s4;
	[sflag:s9] =	ssyncadd.s32 $0xFFFFC000  }
0xc6: {  	[tilespmem:s16], [sflag:$0x1] =	stream.linear.gather @!p0 [hbm4b:s15+s16], $0x4000, $0x38;
	[tilespmem:$0x8200] =	vst v63  }
0xc7: {  	v0 =	vld [tilespmem:$0x4000]  }
0xc8: {  	v1 =	vld [tilespmem:$0x4080]  }
0xc9: {  	v2 =	vld [tilespmem:$0x4100]  }
0xca: {  	v3 =	vld [tilespmem:$0x4180]  }
0xcb: {  	v4 =	vld [tilespmem:$0x4200]  }
0xcc: {  	(xrf1) =	vsort.ascd.msk.f32 $0xffff, v0, v0;
	v0 =	vld [tilespmem:$0x4280]  }
0xcd: {  	(xrf1) =	vsort.ascd.msk.f32 $0xffff, v1, v1;
	v1 =	vld [tilespmem:$0x4300]  }
0xce: {  	(xrf1) =	vsort.ascd.msk.f32 $0xffff, v2, v2;
	v2 =	vld [tilespmem:$0x4380]  }
0xcf: {  	(xrf1) =	vsort.ascd.msk.f32 $0xffff, v3, v3;
	v3 =	vld [tilespmem:$0x6000]  }
0xd0: {  	(xrf1) =	vsort.ascd.msk.f32 $0xffff, v4, v4;
	v4 =	vld [tilespmem:$0x6080]  }
0xd1: {  	(xrf1) =	vsort.ascd.msk.f32 $0xffff, v0, v0;
	v0 =	vld [tilespmem:$0x6100]  }
0xd2: {  	(xrf1) =	vsort.ascd.msk.f32 $0xffff, v1, v1;
	v1 =	vld [tilespmem:$0x6180]  }
0xd3: {  	(xrf1) =	vsort.ascd.msk.f32 $0xffff, v2, v2;
	v2 =	vld [tilespmem:$0x6200]  }
0xd4: {  	s25 =	simm.s32 $0x10;
	s26 =	simm.s32 $0x80;
	(xrf1) =	vsort.ascd.msk.f32 $0xffff, v3, v3;
	v3 =	vld [tilespmem:$0x6280]  }
0xd5: {  	s28 =	sand.u32 $0x70, s25;
	s18 =	sand.u32 $0x1C00, s26;
	(xrf1) =	vsort.ascd.msk.f32 $0xffff, v4, v4;
	v4 =	vld [tilespmem:$0x6300]  }
0xd6: {  	s17 =	sor.u32 s28, s18;
	(xrf1) =	vsort.ascd.msk.f32 $0xffff, v0, v0;
	v0 =	vld [tilespmem:$0x6380]  }
0xd7: {  	(xrf1) =	vsort.ascd.msk.f32 $0xffff, v1, v1;
	v1 =	vld [tilespmem:s17+$0x4000]  }
0xd8: {  	(xrf1) =	vsort.ascd.msk.f32 $0xffff, v2, v2;
	v2 =	vld [tilespmem:s17+$0x4080]  }
0xd9: {  	(xrf1) =	vsort.ascd.msk.f32 $0xffff, v3, v3  }
0xda: {  	v3 =	vld [tilespmem:s17+$0x4100];
	v5, _, _ =	vpop (xrf1);
	(xrf1) =	vsort.ascd.msk.f32 $0xffff, v4, v4  }
0xdb: {  	v4 =	vld [tilespmem:s17+$0x4180];
	v6, _, _ =	vpop (xrf1);
	(xrf1) =	vsort.ascd.msk.f32 $0xffff, v0, v0  }
0xdc: {  	v0 =	vld [tilespmem:s17+$0x4200];
	v7, _, _ =	vpop (xrf1);
	(xrf1) =	vsort.dscd.msk.f32 $0xffff, v1, v1  }
0xdd: {  	s15 =	sor.u32 s26, s25;
	v8 =	vld [tilespmem:s17+$0x4280];
	v1, _, _ =	vpop (xrf1);
	(xrf1) =	vsort.dscd.msk.f32 $0xffff, v2, v2  }
0xde: {  	v9 =	vld [tilespmem:s17+$0x4300];
	s15 =	sor.u32 $0x380, s15;
	v2, _, _ =	vpop (xrf1)  }
0xdf: {  	v10 =	vld [tilespmem:s15+$0x4000];
	(xrf1) =	vsort.dscd.msk.f32 $0xffff, v3, v3;
	v3, _, _ =	vpop (xrf1)  }
0xe0: {  	v11 =	vld [tilespmem:s17+$0x6000];
	(xrf1) =	vsort.dscd.msk.f32 $0xffff, v4, v4;
	v4, _, _ =	vpop (xrf1)  }
0xe1: {  	v12 =	vld [tilespmem:s17+$0x6080];
	(xrf1) =	vsort.dscd.msk.f32 $0xffff, v0, v0;
	v0, _, _ =	vpop (xrf1)  }
0xe2: {  	v13 =	vld [tilespmem:s17+$0x6100];
	(xrf1) =	vsort.dscd.msk.f32 $0xffff, v8, v8;
	v8, _, _ =	vpop (xrf1)  }
0xe3: {  	v14 =	vld [tilespmem:s17+$0x6180];
	(xrf1) =	vsort.dscd.msk.f32 $0xffff, v9, v9;
	v9, _, _ =	vpop (xrf1)  }
0xe4: {  	v15 =	vld [tilespmem:s17+$0x6200];
	(xrf1) =	vsort.dscd.msk.f32 $0xffff, v10, v10;
	v10, _, _ =	vpop (xrf1)  }
0xe5: {  	v16 =	vld [tilespmem:s17+$0x6280];
	(xrf1) =	vsort.dscd.msk.f32 $0xffff, v11, v11;
	v11, _, _ =	vpop (xrf1)  }
0xe6: {  	(xrf1) =	vsort.dscd.msk.f32 $0xffff, v12, v12;
	v12, _, _ =	vpop (xrf1)  }
0xe7: {  	v17 =	vld [tilespmem:s17+$0x6300];
	(xrf1) =	vsort.dscd.msk.f32 $0xffff, v13, v13;
	v13, _, _ =	vpop (xrf1)  }
0xe8: {  	v63 =	vld [tilespmem:s17+$0x6380];
	(xrf1) =	vsort.dscd.msk.f32 $0xffff, v14, v14;
	v14, _, _ =	vpop (xrf1)  }
0xe9: {  	(xrf1) =	vsort.dscd.msk.f32 $0xffff, v15, v15;
	v15, _, _ =	vpop (xrf1)  }
0xea: {  	(xrf1) =	vsort.dscd.msk.f32 $0xffff, v16, v16;
	v16, _, _ =	vpop (xrf1)  }
0xeb: {  	v5 =	vmin.f32 v5, v16;
	v16, _, _ =	vpop (xrf1)  }
0xec: {  	(xrf1) =	vsort.dscd.msk.f32 $0xffff, v17, v17;
	v6 =	vmin.f32 v6, v16  }
0xed: {  	(xrf1) =	vsort.dscd.msk.f32 $0xffff, v63, v63  }
0xee: {  	(xrf1) =	vsort.ascd.msk.f32 $0xffff, v5, v5;
	v5, _, _ =	vpop (xrf1)  }
0xef: {  	(xrf1) =	vsort.ascd.msk.f32 $0xffff, v6, v6;
	v5 =	vmin.f32 v7, v5;
	v6, _, _ =	vpop (xrf1)  }
0xf0: {  	v1 =	vmin.f32 v1, v6;
	_ =	sdelay $0x1  }
0xf1: {  	(xrf1) =	vsort.ascd.msk.f32 $0xffff, v5, v5;
	v5, _, _ =	vpop (xrf1)  }
0xf2: {  	(xrf1) =	vsort.ascd.msk.f32 $0xffff, v1, v1;
	v2 =	vmin.f32 v2, v5;
	v1, _, _ =	vpop (xrf1)  }
0xf3: {  	v1 =	vmin.f32 v3, v1;
	_ =	sdelay $0x1  }
0xf4: {  	(xrf1) =	vsort.ascd.msk.f32 $0xffff, v2, v2;
	v2, _, _ =	vpop (xrf1)  }
0xf5: {  	(xrf1) =	vsort.ascd.msk.f32 $0xffff, v1, v1;
	v1, _, _ =	vpop (xrf1)  }
0xf6: {  	v0 =	vmin.f32 v0, v1  }
0xf7: {  	v2 =	vmin.f32 v4, v2;
	v1, _, _ =	vpop (xrf1)  }
0xf8: {  	(xrf1) =	vsort.ascd.msk.f32 $0xffff, v2, v2;
	v1 =	vmin.f32 v8, v1  }
0xf9: {  	(xrf1) =	vsort.ascd.msk.f32 $0xffff, v0, v0;
	v0, _, _ =	vpop (xrf1)  }
0xfa: {  	v0 =	vmin.f32 v9, v0  }
0xfb: {  	(xrf1) =	vsort.ascd.msk.f32 $0xffff, v1, v1;
	v1, _, _ =	vpop (xrf1)  }
0xfc: {  	v1 =	vmin.f32 v10, v1  }
0xfd: {  	(xrf1) =	vsort.ascd.msk.f32 $0xffff, v0, v0;
	v0, _, _ =	vpop (xrf1)  }
0xfe: {  	v0 =	vmin.f32 v11, v0  }
0xff: {  	(xrf1) =	vsort.ascd.msk.f32 $0xffff, v1, v1;
	v1, _, _ =	vpop (xrf1)  }
0x100: {  	s29 =	simm.s32 $0x20;
	s15 =	simm.s32 $0x100;
	v1 =	vmin.f32 v12, v1  }
0x101: {  	s30 =	sand.u32 $0x70, s29;
	s31 =	sand.u32 $0x1C00, s15;
	(xrf1) =	vsort.ascd.msk.f32 $0xffff, v0, v0;
	v0, _, _ =	vpop (xrf1)  }
0x102: {  	s17 =	sor.u32 s30, s31;
	v0 =	vmin.f32 v13, v0  }
0x103: {  	v2 =	vld [tilespmem:s17+$0x4000];
	(xrf1) =	vsort.ascd.msk.f32 $0xffff, v1, v1;
	v1, _, _ =	vpop (xrf1)  }
0x104: {  	v3 =	vld [tilespmem:s17+$0x4080];
	v1 =	vmin.f32 v14, v1  }
0x105: {  	v5 =	vld [tilespmem:s17+$0x4100];
	(xrf1) =	vsort.ascd.msk.f32 $0xffff, v0, v0;
	v0, _, _ =	vpop (xrf1)  }
0x106: {  	v6 =	vld [tilespmem:s17+$0x4180];
	(xrf1) =	vsort.ascd.msk.f32 $0xffff, v1, v1;
	v4 =	vmin.f32 v15, v0;
	v0, _, _ =	vpop (xrf1)  }
0x107: {  	v7 =	vld [tilespmem:s17+$0x4200];
	v1, _, _ =	vpop (xrf1);
	(xrf1) =	vsort.ascd.msk.f32 $0xffff, v4, v4  }
0x108: {  	s16 =	sor.u32 s15, s29;
	v8 =	vld [tilespmem:s17+$0x4280];
	(xrf1) =	vsort.dscd.msk.f32 $0xffff, v2, v2;
	v2, _, _ =	vpop (xrf1)  }
0x109: {  	s16 =	sor.u32 $0x380, s16;
	v9 =	vld [tilespmem:s17+$0x4300];
	(xrf1) =	vsort.dscd.msk.f32 $0xffff, v3, v3;
	v4, _, _ =	vpop (xrf1)  }
0x10a: {  	v3 =	vld [tilespmem:s16+$0x4000];
	(xrf1) =	vsort.dscd.msk.f32 $0xffff, v5, v5;
	v5, _, _ =	vpop (xrf1)  }
0x10b: {  	v16 =	vld [tilespmem:s17+$0x6000];
	(xrf1) =	vsort.dscd.msk.f32 $0xffff, v6, v6;
	v6, _, _ =	vpop (xrf1)  }
0x10c: {  	v11 =	vld [tilespmem:s17+$0x6080];
	(xrf1) =	vsort.dscd.msk.f32 $0xffff, v7, v7;
	v7, _, _ =	vpop (xrf1)  }
0x10d: {  	v12 =	vld [tilespmem:s17+$0x6100];
	(xrf1) =	vsort.dscd.msk.f32 $0xffff, v8, v8;
	v8, _, _ =	vpop (xrf1)  }
0x10e: {  	v13 =	vld [tilespmem:s17+$0x6180];
	(xrf1) =	vsort.dscd.msk.f32 $0xffff, v9, v9;
	v9, _, _ =	vpop (xrf1)  }
0x10f: {  	v14 =	vld [tilespmem:s17+$0x6200];
	(xrf1) =	vsort.dscd.msk.f32 $0xffff, v3, v3;
	v10, _, _ =	vpop (xrf1)  }
0x110: {  	v15 =	vld [tilespmem:s17+$0x6280];
	s16 =	simm.s32 $0x30;
	(xrf1) =	vsort.dscd.msk.f32 $0xffff, v16, v16;
	v3, _, _ =	vpop (xrf1)  }
.LBB2_5:
0x111: {  	p0 =	sne.s32 s16, $0x3F0;
	v16 =	vld [tilespmem:s17+$0x6300];
	(xrf1) =	vsort.dscd.msk.f32 $0xffff, v11, v11;
	v11, _, _ =	vpop (xrf1)  }
0x112: {  	v17 =	vld [tilespmem:s17+$0x6380];
	(xrf1) =	vsort.dscd.msk.f32 $0xffff, v12, v12;
	v12, _, _ =	vpop (xrf1)  }
0x113: {  	(xrf1) =	vsort.dscd.msk.f32 $0xffff, v13, v13;
	v13, _, _ =	vpop (xrf1)  }
0x114: {  	(xrf1) =	vsort.dscd.msk.f32 $0xffff, v14, v14;
	v14, _, _ =	vpop (xrf1)  }
0x115: {  	(xrf1) =	vsort.dscd.msk.f32 $0xffff, v15, v15;
	v15, _, _ =	vpop (xrf1)  }
0x116: {  	v18, _, _ =	vpop (xrf1);
	(xrf1) =	vsort.dscd.msk.f32 $0xffff, v16, v16  }
0x117: {  	v18 =	vmin.f32 v0, v18;
	v16, _, _ =	vpop (xrf1);
	(xrf1) =	vsort.dscd.msk.f32 $0xffff, v17, v17  }
0x118: {  	v16 =	vmin.f32 v1, v16;
	(xrf1) =	vsort.ascd.msk.f32 $0xffff, v18, v18;
	v0, _, _ =	vpop (xrf1)  }
0x119: {  	v2 =	vmin.f32 v2, v0;
	(xrf1) =	vsort.ascd.msk.f32 $0xffff, v16, v16;
	v1, _, _ =	vpop (xrf1)  }
0x11a: {  	v4 =	vmin.f32 v4, v1;
	(xrf1) =	vsort.ascd.msk.f32 $0xffff, v2, v2;
	v0, _, _ =	vpop (xrf1)  }
0x11b: {  	v2 =	vmin.f32 v5, v0;
	(xrf1) =	vsort.ascd.msk.f32 $0xffff, v4, v4;
	v1, _, _ =	vpop (xrf1)  }
0x11c: {  	v4 =	vmin.f32 v6, v1;
	(xrf1) =	vsort.ascd.msk.f32 $0xffff, v2, v2;
	v0, _, _ =	vpop (xrf1)  }
0x11d: {  	v2 =	vmin.f32 v7, v0;
	(xrf1) =	vsort.ascd.msk.f32 $0xffff, v4, v4;
	v1, _, _ =	vpop (xrf1)  }
0x11e: {  	v4 =	vmin.f32 v8, v1;
	(xrf1) =	vsort.ascd.msk.f32 $0xffff, v2, v2;
	v0, _, _ =	vpop (xrf1)  }
0x11f: {  	v2 =	vmin.f32 v9, v0;
	(xrf1) =	vsort.ascd.msk.f32 $0xffff, v4, v4;
	v1, _, _ =	vpop (xrf1)  }
0x120: {  	s15 =	sadd.s32 $0x80, s15;
	v4 =	vmin.f32 v10, v1;
	(xrf1) =	vsort.ascd.msk.f32 $0xffff, v2, v2;
	v0, _, _ =	vpop (xrf1)  }
0x121: {  	s17 =	sand.u32 $0x70, s16;
	s18 =	sand.u32 $0x1C00, s15;
	v2 =	vmin.f32 v3, v0;
	(xrf1) =	vsort.ascd.msk.f32 $0xffff, v4, v4;
	v1, _, _ =	vpop (xrf1)  }
0x122: {  	s17 =	sor.u32 s17, s18;
	v3 =	vmin.f32 v11, v1;
	(xrf1) =	vsort.ascd.msk.f32 $0xffff, v2, v2;
	v0, _, _ =	vpop (xrf1)  }
0x123: {  	v2 =	vld [tilespmem:s17+$0x4000];
	v4 =	vmin.f32 v12, v0;
	(xrf1) =	vsort.ascd.msk.f32 $0xffff, v3, v3;
	v1, _, _ =	vpop (xrf1)  }
0x124: {  	v3 =	vld [tilespmem:s17+$0x4080];
	v1 =	vmin.f32 v13, v1;
	(xrf1) =	vsort.ascd.msk.f32 $0xffff, v4, v4;
	v0, _, _ =	vpop (xrf1)  }
0x125: {  	v5 =	vld [tilespmem:s17+$0x4100];
	v4 =	vmin.f32 v14, v0;
	(xrf1) =	vsort.ascd.msk.f32 $0xffff, v1, v1;
	v0, _, _ =	vpop (xrf1)  }
0x126: {  	v6 =	vld [tilespmem:s17+$0x4180];
	v7 =	vmin.f32 v15, v0;
	v0, _, _ =	vpop (xrf1);
	(xrf1) =	vsort.ascd.msk.f32 $0xffff, v4, v4  }
0x127: {  	v8 =	vld [tilespmem:s17+$0x4200];
	v1, _, _ =	vpop (xrf1);
	(xrf1) =	vsort.ascd.msk.f32 $0xffff, v7, v7  }
0x128: {  	s18 =	sor.u32 s15, s16;
	v9 =	vld [tilespmem:s17+$0x4280];
	(xrf1) =	vsort.dscd.msk.f32 $0xffff, v2, v2;
	v2, _, _ =	vpop (xrf1)  }
0x129: {  	s18 =	sor.u32 $0x380, s18;
	v10 =	vld [tilespmem:s17+$0x4300];
	(xrf1) =	vsort.dscd.msk.f32 $0xffff, v3, v3;
	v4, _, _ =	vpop (xrf1)  }
0x12a: {  	v3 =	vld [tilespmem:s18+$0x4000];
	(xrf1) =	vsort.dscd.msk.f32 $0xffff, v5, v5;
	v5, _, _ =	vpop (xrf1)  }
0x12b: {  	v16 =	vld [tilespmem:s17+$0x6000];
	(xrf1) =	vsort.dscd.msk.f32 $0xffff, v6, v6;
	v6, _, _ =	vpop (xrf1)  }
.Ltmp1:
0x12c: {  	v11 =	vld [tilespmem:s17+$0x6080];
	(xrf1) =	vsort.dscd.msk.f32 $0xffff, v8, v8;
	v7, _, _ =	vpop (xrf1);
	(pc) =	sbr.rel @p0 .LBB2_5-.Ltmp1, $4  }
0x12d: {  	v12 =	vld [tilespmem:s17+$0x6100];
	(xrf1) =	vsort.dscd.msk.f32 $0xffff, v9, v9;
	v8, _, _ =	vpop (xrf1)  }
0x12e: {  	v13 =	vld [tilespmem:s17+$0x6180];
	(xrf1) =	vsort.dscd.msk.f32 $0xffff, v10, v10;
	v9, _, _ =	vpop (xrf1)  }
0x12f: {  	v14 =	vld [tilespmem:s17+$0x6200];
	(xrf1) =	vsort.dscd.msk.f32 $0xffff, v3, v3;
	v10, _, _ =	vpop (xrf1)  }
0x130: {  	s16 =	sadd.s32 $0x10, s16;
	v15 =	vld [tilespmem:s17+$0x6280];
	(xrf1) =	vsort.dscd.msk.f32 $0xffff, v16, v16;
	v3, _, _ =	vpop (xrf1)  }
0x131: {  	v16 =	vld [tilespmem:s17+$0x6300];
	(xrf1) =	vsort.dscd.msk.f32 $0xffff, v11, v11;
	v55, _, _ =	vpop (xrf1)  }
0x132: {  	v17 =	vld [tilespmem:s17+$0x6380];
	(xrf1) =	vsort.dscd.msk.f32 $0xffff, v12, v12;
	v56, _, _ =	vpop (xrf1)  }
0x133: {  	(xrf1) =	vsort.dscd.msk.f32 $0xffff, v13, v13;
	v57, _, _ =	vpop (xrf1)  }
0x134: {  	(xrf1) =	vsort.dscd.msk.f32 $0xffff, v14, v14;
	v58, _, _ =	vpop (xrf1)  }
0x135: {  	(xrf1) =	vsort.dscd.msk.f32 $0xffff, v15, v15;
	v59, _, _ =	vpop (xrf1)  }
0x136: {  	v18, _, _ =	vpop (xrf1);
	(xrf1) =	vsort.dscd.msk.f32 $0xffff, v16, v16  }
0x137: {  	v0 =	vmin.f32 v0, v18;
	v60, _, _ =	vpop (xrf1);
	(xrf1) =	vsort.dscd.msk.f32 $0xffff, v17, v17  }
0x138: {  	v1 =	vmin.f32 v1, v60;
	(xrf1) =	vsort.ascd.msk.f32 $0xffff, v0, v0;
	v61, _, _ =	vpop (xrf1)  }
0x139: {  	v0 =	vmin.f32 v2, v61;
	(xrf1) =	vsort.ascd.msk.f32 $0xffff, v1, v1;
	v62, _, _ =	vpop (xrf1)  }
0x13a: {  	v1 =	vmin.f32 v4, v62;
	(xrf1) =	vsort.ascd.msk.f32 $0xffff, v0, v0;
	v63, _, _ =	vpop (xrf1)  }
0x13b: {  	v0 =	vmin.f32 v5, v63;
	(xrf1) =	vsort.ascd.msk.f32 $0xffff, v1, v1;
	v4, _, _ =	vpop (xrf1)  }
0x13c: {  	v1 =	vmin.f32 v6, v4;
	(xrf1) =	vsort.ascd.msk.f32 $0xffff, v0, v0;
	v5, _, _ =	vpop (xrf1)  }
0x13d: {  	v0 =	vmin.f32 v7, v5;
	(xrf1) =	vsort.ascd.msk.f32 $0xffff, v1, v1;
	v6, _, _ =	vpop (xrf1)  }
0x13e: {  	v1 =	vmin.f32 v8, v6;
	(xrf1) =	vsort.ascd.msk.f32 $0xffff, v0, v0;
	v7, _, _ =	vpop (xrf1)  }
0x13f: {  	(xrf1) =	vsort.ascd.msk.f32 $0xffff, v1, v1;
	v8, _, _ =	vpop (xrf1)  }
0x140: {  	v0 =	vmin.f32 v9, v7;
	v9, _, _ =	vpop (xrf1)  }
0x141: {  	v1 =	vmin.f32 v10, v8;
	(xrf1) =	vsort.ascd.msk.f32 $0xffff, v0, v0;
	v10, _, _ =	vpop (xrf1)  }
0x142: {  	v11, _, _ =	vpop (xrf1)  }
0x143: {  	(xrf1) =	vsort.ascd.msk.f32 $0xffff, v1, v1;
	v16, _, _ =	vpop (xrf1)  }
0x144: {  	v0 =	vmin.f32 v3, v9;
	v17, _, _ =	vpop (xrf1)  }
0x145: {  	v1 =	vmin.f32 v55, v10;
	(xrf1) =	vsort.ascd.msk.f32 $0xffff, v0, v0;
	v18, _, _ =	vpop (xrf1)  }
0x146: {  	v0 =	vmin.f32 v56, v11;
	(xrf1) =	vsort.ascd.msk.f32 $0xffff, v1, v1;
	v19, _, _ =	vpop (xrf1)  }
0x147: {  	(xrf1) =	vsort.ascd.msk.f32 $0xffff, v0, v0;
	v20, _, _ =	vpop (xrf1)  }
0x148: {  	v1 =	vmin.f32 v57, v16;
	(xrf0) =	vmax.scan.msk.f32 $0xffff, v19;
	v21, _, _ =	vpop (xrf1)  }
0x149: {  	(xrf1) =	vsort.ascd.msk.f32 $0xffff, v1, v1;
	v22, _, _ =	vpop (xrf1)  }
0x14a: {  	v0 =	vmin.f32 v58, v17;
	(xrf0) =	vmax.scan.msk.f32 $0xffff, v20;
	v23, _, _ =	vpop (xrf1)  }
0x14b: {  	(xrf1) =	vsort.ascd.msk.f32 $0xffff, v0, v0;
	v24, _, _ =	vpop (xrf1)  }
0x14c: {  	(xrf0) =	vmax.scan.msk.f32 $0xffff, v21;
	v25, _, _ =	vpop (xrf1)  }
0x14d: {  	v26, _, _ =	vpop (xrf1)  }
0x14e: {  	(xrf0) =	vmax.scan.msk.f32 $0xffff, v22;
	v32, _, _ =	vpop (xrf0)  }
0x14f: {  	v27, _, _ =	vpop (xrf1)  }
0x150: {  	v2 =	vmin.f32 v59, v18;
	(xrf0) =	vmax.scan.msk.f32 $0xffff, v23;
	v34, _, _ =	vpop (xrf0)  }
0x151: {  	(xrf1) =	vsort.ascd.msk.f32 $0xffff, v2, v2;
	v28, _, _ =	vpop (xrf1)  }
0x152: {  	v35, _, _ =	vpop (xrf0)  }
0x153: {  	(xrf0) =	vmax.scan.msk.f32 $0xffff, v24;
	v29, _, _ =	vpop (xrf1)  }
0x154: {  	v36, _, _ =	vpop (xrf0)  }
0x155: {  	(xrf0) =	vmax.scan.msk.f32 $0xffff, v25;
	v30, _, _ =	vpop (xrf1)  }
0x156: {  	(xrf0) =	vmax.scan.msk.f32 $0xffff, v26;
	v39, _, _ =	vpop (xrf0)  }
0x157: {  	(xrf0) =	vmax.scan.msk.f32 $0xffff, v27;
	v31, _, _ =	vpop (xrf1)  }
0x158: {  	v37 =	vbroadcast v32, $0xF;
	v38 =	vbroadcast v34, $0xF;
	(xrf0) =	vmax.scan.msk.f32 $0xffff, v28;
	v33, _, _ =	vpop (xrf1)  }
0x159: {  	v0 =	vbroadcast v35, $0xF;
	v40, _, _ =	vpop (xrf0)  }
0x15a: {  	v1 =	vsel vm0, v37, v38;
	v42 =	vbroadcast v36, $0xF;
	(xrf0) =	vmax.scan.msk.f32 $0xffff, v29;
	v41, _, _ =	vpop (xrf1)  }
0x15b: {  	v0 =	vsel vm2, v1, v0;
	v43 =	vbroadcast v39, $0xF;
	v44, _, _ =	vpop (xrf0);
	(xrf0) =	vmax.scan.msk.f32 $0xffff, v30  }
0x15c: {  	v0 =	vsel vm1, v0, v42;
	v2 =	vbroadcast v40, $0xF;
	v45, _, _ =	vpop (xrf0);
	(xrf0) =	vmax.scan.msk.f32 $0xffff, v31  }
0x15d: {  	v0 =	vsel vm3, v0, v43;
	v46 =	vbroadcast v44, $0xF;
	v47, _, _ =	vpop (xrf0);
	(xrf0) =	vmax.scan.msk.f32 $0xffff, v33  }
0x15e: {  	v0 =	vsel vm4, v0, v2;
	v48 =	vbroadcast v45, $0xF;
	v49, _, _ =	vpop (xrf0);
	(xrf0) =	vmax.scan.msk.f32 $0xffff, v41  }
0x15f: {  	v52, _, _ =	vpop (xrf1);
	v0 =	vsel vm5, v0, v46;
	v51 =	vbroadcast v47, $0xF  }
0x160: {  	v0 =	vsel vm6, v0, v48;
	v53 =	vbroadcast v49, $0xF;
	v50, _, _ =	vpop (xrf0)  }
0x161: {  	v0 =	vsel vm8, v0, v51;
	(xrf0) =	vmax.scan.msk.f32 $0xffff, v52;
	v54 =	vbroadcast v50, $0xF;
	v55, _, _ =	vpop (xrf0)  }
0x162: {  	v0 =	vsel vm7, v0, v53;
	v56, _, _ =	vpop (xrf0);
	v57 =	vbroadcast v55, $0xF  }
0x163: {  	s13 =	sadd.s32 $0x1, s13;
	v58, _, _ =	vpop (xrf0);
	v0 =	vsel vm9, v0, v54;
	v59 =	vbroadcast v56, $0xF  }
0x164: {  	p0 =	sne.s32 s13, $0x10;
	v60, _, _ =	vpop (xrf0);
	v0 =	vsel vm10, v0, v57;
	v61 =	vbroadcast v58, $0xF  }
.Ltmp2:
0x165: {  	v0 =	vsel vm11, v0, v59;
	v62 =	vbroadcast v60, $0xF;
	(pc) =	sbr.rel @p0 .LBB2_2-.Ltmp2, $4  }
0x166: {  	v0 =	vsel vm12, v0, v61  }
0x167: {  	s14 =	sshll.u32 s14, $0x4;
	v63, _, _ =	vpop (xrf0);
	v0 =	vsel vm14, v0, v62  }
0x168: {  	s14 =	sand.u32 $0x3FFFFFF0, s14;
	v0 =	vsel vm13, v0, v63  }
0x169: {  	[tilespmem:s14+$0x8000] =	vst v0  }
0x16a: {  	s12 =	sadd.s32 $0x1, s12  }
0x16b: {  	p0 =	sne.s32 s12, s6  }
.Ltmp3:
0x16c: {  	_ = 	snop;
	(pc) =	sbr.rel @p0 .LBB2_1-.Ltmp3, $4  }
0x16d: {  	[hbm4b:s5+s2] =	stream.linear.scatter [tilespmem:s10], [sflag:$0x3], $0x200, $0x38;
	[tilespmem:$0x8200] =	vst v63  }
0x16e: {  	_ =	swait.ge [sflag:s11], $0x200  }
0x16f: {  	[sflag:s11] =	ssyncset.done $0x0  }
0x170: {  	[sflag:s11] =	ssyncadd.s32 $0xFFFFFE00  }
0x171: {  	_ =	sfence.sel $0x180000  }
0x172: {  	[bflag:$0x0] =	sbarrier.arrive $0xFFFF  }
0x173: {  	p0 =	sne.s32 s1, $0x0;
	_ =	strace $0x90000047  }
0x174: {  	s0 =	sadd.s32 @!p0 $0x100000, s0;
	[bflag:$0x2] =	sbarrier.arrive $0xFFFF  }
0x175: {  	[sflag:s0] =	ssyncadd.tile.s32 @!p0 $0x1;
	_ =	shalt  }
.Lfunc_end2:
_tile_overlayer_lowered:
.L_overlay_start_2:
0x176: {  	(tag) =	ssettag $0x2  }
0x177: {  	s0 =	rddreg [dreg:$0x0];
	s2 =	stileid.u32  }
0x178: {  	s1 =	rddreg [dreg:$0x1];
	p0 =	sne.s32 s2, $0x0  }
0x179: {  	s3 =	rddreg [dreg:$0x2];
	[bflag:$0x3] =	sbarrier.arrive $0xFFFF;
	s2 =	simm.s32 @!p0 $0x1C03  }
0x17a: {  	[timem:s3], [sflag:s2] =	dma.local @!p0 [hbm:s0], s1  }
0x17b: {  	s0 =	simm.s32 @!p0 $0x3  }
0x17c: {  	_ =	swait.ge @!p0 [sflag:s0], s1  }
0x17d: {  	s1 =	ssub.s32 @!p0 $0x0, s1;
	[sflag:s0] =	ssyncset.done @!p0 $0x0  }
0x17e: {  	[sflag:s0] =	ssyncadd.s32 @!p0 s1  }
0x17f: {  	[bflag:$0x3] =	sbarrier.arrive $0xFFFF  }
0x180: {  	_ =	shalt  }

</sc_bundles>
